<compile_context>
chip_gen: v7x
topology: tpu7x:2x2x1
jax: 0.10.2.dev20260603
libtpu: 0.0.44.dev20260713+nightly
codegen_flags: <defaults>
</compile_context>

<pallas_src>
import functools

import jax
import jax.numpy as jnp
from jax import lax
from jax.experimental import pallas as pl
from jax.experimental.pallas import tpu as pltpu
from jax.experimental.pallas import tpu_sc as plsc

N = 100000
D = 128
K = 65
SENTINEL = 64
P_MASK = 0.7
L = 16

C = 160
CH = 80
NCH = N // C
NC = 2
NS = 16
NW = NC * NS
MAXT = (NCH + NW - 1) // NW
NBUF = 4
ROUNDS = MAXT // NBUF

_mesh = plsc.VectorSubcoreMesh(core_axis_name="c", subcore_axis_name="s")

_scratch = [pltpu.VMEM_SHARED((K, D), jnp.float32)]
for _ in range(NBUF):
    _scratch += [
        pltpu.VMEM((C, D), jnp.float32),
        pltpu.VMEM((C,), jnp.int32),
        pltpu.VMEM((C,), jnp.int32),
        pltpu.VMEM((C,), jnp.float32),
        pltpu.VMEM((C,), jnp.int32),
        pltpu.SemaphoreType.DMA,
        pltpu.SemaphoreType.DMA,
        pltpu.SemaphoreType.DMA,
    ]
_NSB = 8


@functools.partial(
    pl.kernel,
    out_type=jax.ShapeDtypeStruct((N, D), jnp.float32),
    mesh=_mesh,
    scratch_types=_scratch,
)
def _sc_encode(x_hbm, y_hbm, m_hbm, r_hbm, e_hbm, out_hbm, e_sh, *bufflat):
    wid = lax.axis_index("s") * NC + lax.axis_index("c")
    bufs = tuple(bufflat[_NSB * t:_NSB * t + _NSB] for t in range(NBUF))

    @pl.when(lax.axis_index("s") == 0)
    def _():
        pltpu.sync_copy(e_hbm, e_sh)

    plsc.subcore_barrier()

    def chunk(i):
        return wid + i * NW

    def in_triples(i, t):
        base = chunk(i) * C
        xb, yb, mb, rb, _, isem, _, _ = bufs[t]
        return ((x_hbm.at[pl.ds(base, C)], xb, isem),
                (y_hbm.at[pl.ds(base, C)], yb, isem),
                (m_hbm.at[pl.ds(base, C)], mb, isem),
                (r_hbm.at[pl.ds(base, C)], rb, isem))

    def out_triple(i, t):
        base = chunk(i) * C
        return (bufs[t][0], out_hbm.at[pl.ds(base, C)], bufs[t][7])

    def gadd_triples(t):
        xb, idx, gsem = bufs[t][0], bufs[t][4], bufs[t][6]
        return tuple(
            (e_sh.at[idx.at[pl.ds(h * CH, CH)]],
             xb.at[pl.ds(h * CH, CH)], gsem)
            for h in range(C // CH))

    def issue_in(i, t):
        @pl.when(chunk(i) < NCH)
        def _():
            for s, d, sm in in_triples(i, t):
                pltpu.async_copy(s, d, sm)

    def wait_in(i, t):
        @pl.when(chunk(i) < NCH)
        def _():
            for s, d, sm in in_triples(i, t):
                pltpu.make_async_copy(s, d, sm).wait()

    def issue_out(i, t):
        @pl.when(chunk(i) < NCH)
        def _():
            s, d, sm = out_triple(i, t)
            pltpu.async_copy(s, d, sm)

    def wait_out(i, t):
        @pl.when((chunk(i) >= 0) & (chunk(i) < NCH))
        def _():
            s, d, sm = out_triple(i, t)
            pltpu.make_async_copy(s, d, sm).wait()

    def stage_a(i, t):
        @pl.when(chunk(i) < NCH)
        def _():
            yb, mb, rb, idx = bufs[t][1:5]
            for s, d, sm in in_triples(i, t):
                pltpu.make_async_copy(s, d, sm).wait()

            @plsc.parallel_loop(0, C // L, unroll=2)
            def lab_body(g):
                s = pl.ds(g * L, L)
                keep = (mb[s] != 0) & (rb[s] >= P_MASK)
                idx[s] = jnp.where(keep, yb[s], SENTINEL)

            for s, d, sm in gadd_triples(t):
                pltpu.make_async_copy(s, d, sm).start(add=True)

    def stage_b(i, t):
        @pl.when(chunk(i) < NCH)
        def _():
            for s, d, sm in gadd_triples(t):
                pltpu.make_async_copy(s, d, sm).wait()
            s, d, sm = out_triple(i, t)
            pltpu.async_copy(s, d, sm)

    issue_in(0, 0)
    issue_in(1, 1)
    issue_in(2, 2)
    stage_a(0, 0)

    def round_body(j, carry):
        for t in range(NBUF):
            i = j * NBUF + t
            stage_a(i + 1, (t + 1) % NBUF)
            stage_b(i, t)
            wait_out(i - 1, (t + 3) % NBUF)
            issue_in(i + 3, (t + 3) % NBUF)
        return carry

    lax.fori_loop(0, ROUNDS, round_body, 0)
    wait_out(MAXT - 1, (MAXT - 1) % NBUF)


def kernel(x, y, train_mask, rand_vals, W, b):
    e = W.T + b[None, :]
    return _sc_encode(
        x,
        y.astype(jnp.int32),
        train_mask.astype(jnp.int32),
        rand_vals,
        e,
    )

# --- scband reference (transcript-rebuilt; emitter-appended) ---
"""Pipeline reference for scband-hetero-label-node-encoder-90263032693119 (READ-ONLY COPY).

The authoritative reference and input builder live on the scoring server;
editing this copy changes nothing except your own understanding.
"""

import jax, jax.numpy as jnp
import numpy as np

N = 100000
DIM_EMB = 128
DIM_OUT = 64  # number of classes; one-hot width = DIM_OUT + 1
P_MASK = 0.7


def setup_inputs(seed: int = 0) -> dict:
    key = jax.random.key(seed)
    k_x, k_y, k_mask, k_rand, k_w, k_b = jax.random.split(key, 6)
    x = jax.random.normal(k_x, (N, DIM_EMB), dtype=jnp.float32)
    y = jax.random.randint(k_y, (N,), 0, DIM_OUT).astype(jnp.int64)
    train_mask = jax.random.randint(k_mask, (N,), 0, 2).astype(jnp.bool_)
    rand_vals = jax.random.uniform(k_rand, (N,), dtype=jnp.float32)
    # nn.Linear(DIM_OUT + 1, DIM_EMB): weight [DIM_EMB, DIM_OUT+1], bias [DIM_EMB]
    bound = 1.0 / np.sqrt(DIM_OUT + 1)
    W = jax.random.uniform(k_w, (DIM_EMB, DIM_OUT + 1), minval=-bound, maxval=bound, dtype=jnp.float32)
    b = jax.random.uniform(k_b, (DIM_EMB,), minval=-bound, maxval=bound, dtype=jnp.float32)
    return {"x": x, "y": y, "train_mask": train_mask, "rand_vals": rand_vals, "W": W, "b": b}


def reference(x, y, train_mask, rand_vals, W, b):
    # label = y.clone(); label[~mask] = dim_out  (mask-out non-train nodes)
    label = jnp.where(train_mask, y, DIM_OUT)
    # random masking during training: label[rand < p] = dim_out
    label = jnp.where(rand_vals < P_MASK, DIM_OUT, label)
    # F.one_hot(label, dim_out + 1).float()
    onehot = jax.nn.one_hot(label, DIM_OUT + 1, dtype=jnp.float32)
    # batch.x = batch.x + linear(onehot) ; linear(v) = v @ W.T + b
    emb = onehot @ W.T + b
    return x + emb

if __name__ == "__main__":
    import jax
    _d = setup_inputs()
    print(jax.jit(kernel)(*tuple(_d.values())))

</pallas_src>

<mosaic_0001>
#map = affine_map<(d0, d1) -> (0, 0)>
#map1 = affine_map<(d0, d1) -> (0)>
module attributes {stable_mosaic.version = 14 : i64} {
  func.func @_sc_encode(%arg0: i32, %arg1: i32, %arg2: memref<100000x128xf32, #tpu.memory_space<hbm>>, %arg3: memref<100000xi32, #tpu.memory_space<hbm>>, %arg4: memref<100000xi32, #tpu.memory_space<hbm>>, %arg5: memref<100000xf32, #tpu.memory_space<hbm>>, %arg6: memref<65x128xf32, #tpu.memory_space<hbm>>, %arg7: memref<100000x128xf32, #tpu.memory_space<hbm>>, %arg8: memref<65x128xf32, #tpu.memory_space<vmem_shared>>, %arg9: memref<160x128xf32, #tpu.memory_space<vmem>>, %arg10: memref<160xi32, #tpu.memory_space<vmem>>, %arg11: memref<160xi32, #tpu.memory_space<vmem>>, %arg12: memref<160xf32, #tpu.memory_space<vmem>>, %arg13: memref<160xi32, #tpu.memory_space<vmem>>, %arg14: memref<!tpu.dma_semaphore, #tpu.memory_space<semaphore_mem>>, %arg15: memref<!tpu.dma_semaphore, #tpu.memory_space<semaphore_mem>>, %arg16: memref<!tpu.dma_semaphore, #tpu.memory_space<semaphore_mem>>, %arg17: memref<160x128xf32, #tpu.memory_space<vmem>>, %arg18: memref<160xi32, #tpu.memory_space<vmem>>, %arg19: memref<160xi32, #tpu.memory_space<vmem>>, %arg20: memref<160xf32, #tpu.memory_space<vmem>>, %arg21: memref<160xi32, #tpu.memory_space<vmem>>, %arg22: memref<!tpu.dma_semaphore, #tpu.memory_space<semaphore_mem>>, %arg23: memref<!tpu.dma_semaphore, #tpu.memory_space<semaphore_mem>>, %arg24: memref<!tpu.dma_semaphore, #tpu.memory_space<semaphore_mem>>, %arg25: memref<160x128xf32, #tpu.memory_space<vmem>>, %arg26: memref<160xi32, #tpu.memory_space<vmem>>, %arg27: memref<160xi32, #tpu.memory_space<vmem>>, %arg28: memref<160xf32, #tpu.memory_space<vmem>>, %arg29: memref<160xi32, #tpu.memory_space<vmem>>, %arg30: memref<!tpu.dma_semaphore, #tpu.memory_space<semaphore_mem>>, %arg31: memref<!tpu.dma_semaphore, #tpu.memory_space<semaphore_mem>>, %arg32: memref<!tpu.dma_semaphore, #tpu.memory_space<semaphore_mem>>, %arg33: memref<160x128xf32, #tpu.memory_space<vmem>>, %arg34: memref<160xi32, #tpu.memory_space<vmem>>, %arg35: memref<160xi32, #tpu.memory_space<vmem>>, %arg36: memref<160xf32, #tpu.memory_space<vmem>>, %arg37: memref<160xi32, #tpu.memory_space<vmem>>, %arg38: memref<!tpu.dma_semaphore, #tpu.memory_space<semaphore_mem>>, %arg39: memref<!tpu.dma_semaphore, #tpu.memory_space<semaphore_mem>>, %arg40: memref<!tpu.dma_semaphore, #tpu.memory_space<semaphore_mem>>) attributes {dimension_semantics = [#tpu.dimension_semantics<core_parallel>, #tpu.dimension_semantics<subcore_parallel>], iteration_bounds = array<i64: 2, 16>, scalar_prefetch = 0 : i64, scratch_operands = 33 : i64, tpu.core_type = #tpu.core_type<sc_vector_subcore>, window_params = [{transform_indices = #map}, {transform_indices = #map1}, {transform_indices = #map1}, {transform_indices = #map1}, {transform_indices = #map}, {transform_indices = #map}]} {
    %mul3A = arith.constant 2 : i32
    %mul3A_0 = arith.muli %arg1, %mul3A : i32
    %add3A = arith.addi %mul3A_0, %arg0 : i32
    %eq3A = arith.constant 0 : i32
    %eq3A_1 = arith.cmpi eq, %arg1, %eq3A : i32
    %convert_element_type3A = arith.extui %eq3A_1 : i1 to i32
    %cond3A = arith.constant 0 : i32
    %cond3A_2 = arith.cmpi ne, %convert_element_type3A, %cond3A : i32
    scf.if %cond3A_2 {
      "tpu.region"() ({
        %run_scoped3A = tpu.sem_alloc : memref<!tpu.dma_semaphore, #tpu.memory_space<semaphore_mem>>
        tpu.enqueue_dma source(%arg6 : memref<65x128xf32, #tpu.memory_space<hbm>>) target(%arg8 : memref<65x128xf32, #tpu.memory_space<vmem_shared>>) target_semaphore(%run_scoped3A : memref<!tpu.dma_semaphore, #tpu.memory_space<semaphore_mem>>)
        tpu.wait_dma2 semaphore(%run_scoped3A : memref<!tpu.dma_semaphore, #tpu.memory_space<semaphore_mem>>) src(%arg6 : memref<65x128xf32, #tpu.memory_space<hbm>>) dst(%arg8 : memref<65x128xf32, #tpu.memory_space<vmem_shared>>)
        tpu.yield
      }) : () -> ()
    } else {
    }
    %barrier3A = arith.constant 0 : index
    tpu.barrier barrier_id(%barrier3A)
    %add3A_3 = arith.constant 0 : i32
    %add3A_4 = arith.addi %add3A, %add3A_3 : i32
    %lt3A = arith.constant 625 : i32
    %lt3A_5 = arith.cmpi slt, %add3A_4, %lt3A : i32
    %convert_element_type3A_6 = arith.extui %lt3A_5 : i1 to i32
    %cond3A_7 = arith.constant 0 : i32
    %cond3A_8 = arith.cmpi ne, %convert_element_type3A_6, %cond3A_7 : i32
    scf.if %cond3A_8 {
      %add3A_45 = arith.constant 0 : i32
      %add3A_46 = arith.addi %add3A, %add3A_45 : i32
      %mul3A_47 = arith.constant 160 : i32
      %mul3A_48 = arith.muli %add3A_46, %mul3A_47 : i32
      %dma_start3A = arith.constant 0 : i32
      %dma_start3A_49 = tpu.memref_slice %arg2[%mul3A_48, %dma_start3A] : memref<100000x128xf32, #tpu.memory_space<hbm>> -> memref<160x128xf32, #tpu.memory_space<hbm>>
      %dma_start3A_50 = arith.constant 0 : i32
      %dma_start3A_51 = tpu.memref_slice %arg2[%mul3A_48, %dma_start3A_50] : memref<100000x128xf32, #tpu.memory_space<hbm>> -> memref<160x128xf32, #tpu.memory_space<hbm>>
      tpu.enqueue_dma source(%dma_start3A_51 : memref<160x128xf32, #tpu.memory_space<hbm>>) target(%arg9 : memref<160x128xf32, #tpu.memory_space<vmem>>) target_semaphore(%arg14 : memref<!tpu.dma_semaphore, #tpu.memory_space<semaphore_mem>>)
      %dma_start3A_52 = tpu.memref_slice %arg3[%mul3A_48] : memref<100000xi32, #tpu.memory_space<hbm>> -> memref<160xi32, #tpu.memory_space<hbm>>
      %dma_start3A_53 = tpu.memref_slice %arg3[%mul3A_48] : memref<100000xi32, #tpu.memory_space<hbm>> -> memref<160xi32, #tpu.memory_space<hbm>>
      tpu.enqueue_dma source(%dma_start3A_53 : memref<160xi32, #tpu.memory_space<hbm>>) target(%arg10 : memref<160xi32, #tpu.memory_space<vmem>>) target_semaphore(%arg14 : memref<!tpu.dma_semaphore, #tpu.memory_space<semaphore_mem>>)
      %dma_start3A_54 = tpu.memref_slice %arg4[%mul3A_48] : memref<100000xi32, #tpu.memory_space<hbm>> -> memref<160xi32, #tpu.memory_space<hbm>>
      %dma_start3A_55 = tpu.memref_slice %arg4[%mul3A_48] : memref<100000xi32, #tpu.memory_space<hbm>> -> memref<160xi32, #tpu.memory_space<hbm>>
      tpu.enqueue_dma source(%dma_start3A_55 : memref<160xi32, #tpu.memory_space<hbm>>) target(%arg11 : memref<160xi32, #tpu.memory_space<vmem>>) target_semaphore(%arg14 : memref<!tpu.dma_semaphore, #tpu.memory_space<semaphore_mem>>)
      %dma_start3A_56 = tpu.memref_slice %arg5[%mul3A_48] : memref<100000xf32, #tpu.memory_space<hbm>> -> memref<160xf32, #tpu.memory_space<hbm>>
      %dma_start3A_57 = tpu.memref_slice %arg5[%mul3A_48] : memref<100000xf32, #tpu.memory_space<hbm>> -> memref<160xf32, #tpu.memory_space<hbm>>
      tpu.enqueue_dma source(%dma_start3A_57 : memref<160xf32, #tpu.memory_space<hbm>>) target(%arg12 : memref<160xf32, #tpu.memory_space<vmem>>) target_semaphore(%arg14 : memref<!tpu.dma_semaphore, #tpu.memory_space<semaphore_mem>>)
    } else {
    }
    %add3A_9 = arith.constant 32 : i32
    %add3A_10 = arith.addi %add3A, %add3A_9 : i32
    %lt3A_11 = arith.constant 625 : i32
    %lt3A_12 = arith.cmpi slt, %add3A_10, %lt3A_11 : i32
    %convert_element_type3A_13 = arith.extui %lt3A_12 : i1 to i32
    %cond3A_14 = arith.constant 0 : i32
    %cond3A_15 = arith.cmpi ne, %convert_element_type3A_13, %cond3A_14 : i32
    scf.if %cond3A_15 {
      %add3A_45 = arith.constant 32 : i32
      %add3A_46 = arith.addi %add3A, %add3A_45 : i32
      %mul3A_47 = arith.constant 160 : i32
      %mul3A_48 = arith.muli %add3A_46, %mul3A_47 : i32
      %dma_start3A = arith.constant 0 : i32
      %dma_start3A_49 = tpu.memref_slice %arg2[%mul3A_48, %dma_start3A] : memref<100000x128xf32, #tpu.memory_space<hbm>> -> memref<160x128xf32, #tpu.memory_space<hbm>>
      %dma_start3A_50 = arith.constant 0 : i32
      %dma_start3A_51 = tpu.memref_slice %arg2[%mul3A_48, %dma_start3A_50] : memref<100000x128xf32, #tpu.memory_space<hbm>> -> memref<160x128xf32, #tpu.memory_space<hbm>>
      tpu.enqueue_dma source(%dma_start3A_51 : memref<160x128xf32, #tpu.memory_space<hbm>>) target(%arg17 : memref<160x128xf32, #tpu.memory_space<vmem>>) target_semaphore(%arg22 : memref<!tpu.dma_semaphore, #tpu.memory_space<semaphore_mem>>)
      %dma_start3A_52 = tpu.memref_slice %arg3[%mul3A_48] : memref<100000xi32, #tpu.memory_space<hbm>> -> memref<160xi32, #tpu.memory_space<hbm>>
      %dma_start3A_53 = tpu.memref_slice %arg3[%mul3A_48] : memref<100000xi32, #tpu.memory_space<hbm>> -> memref<160xi32, #tpu.memory_space<hbm>>
      tpu.enqueue_dma source(%dma_start3A_53 : memref<160xi32, #tpu.memory_space<hbm>>) target(%arg18 : memref<160xi32, #tpu.memory_space<vmem>>) target_semaphore(%arg22 : memref<!tpu.dma_semaphore, #tpu.memory_space<semaphore_mem>>)
      %dma_start3A_54 = tpu.memref_slice %arg4[%mul3A_48] : memref<100000xi32, #tpu.memory_space<hbm>> -> memref<160xi32, #tpu.memory_space<hbm>>
      %dma_start3A_55 = tpu.memref_slice %arg4[%mul3A_48] : memref<100000xi32, #tpu.memory_space<hbm>> -> memref<160xi32, #tpu.memory_space<hbm>>
      tpu.enqueue_dma source(%dma_start3A_55 : memref<160xi32, #tpu.memory_space<hbm>>) target(%arg19 : memref<160xi32, #tpu.memory_space<vmem>>) target_semaphore(%arg22 : memref<!tpu.dma_semaphore, #tpu.memory_space<semaphore_mem>>)
      %dma_start3A_56 = tpu.memref_slice %arg5[%mul3A_48] : memref<100000xf32, #tpu.memory_space<hbm>> -> memref<160xf32, #tpu.memory_space<hbm>>
      %dma_start3A_57 = tpu.memref_slice %arg5[%mul3A_48] : memref<100000xf32, #tpu.memory_space<hbm>> -> memref<160xf32, #tpu.memory_space<hbm>>
      tpu.enqueue_dma source(%dma_start3A_57 : memref<160xf32, #tpu.memory_space<hbm>>) target(%arg20 : memref<160xf32, #tpu.memory_space<vmem>>) target_semaphore(%arg22 : memref<!tpu.dma_semaphore, #tpu.memory_space<semaphore_mem>>)
    } else {
    }
    %add3A_16 = arith.constant 64 : i32
    %add3A_17 = arith.addi %add3A, %add3A_16 : i32
    %lt3A_18 = arith.constant 625 : i32
    %lt3A_19 = arith.cmpi slt, %add3A_17, %lt3A_18 : i32
    %convert_element_type3A_20 = arith.extui %lt3A_19 : i1 to i32
    %cond3A_21 = arith.constant 0 : i32
    %cond3A_22 = arith.cmpi ne, %convert_element_type3A_20, %cond3A_21 : i32
    scf.if %cond3A_22 {
      %add3A_45 = arith.constant 64 : i32
      %add3A_46 = arith.addi %add3A, %add3A_45 : i32
      %mul3A_47 = arith.constant 160 : i32
      %mul3A_48 = arith.muli %add3A_46, %mul3A_47 : i32
      %dma_start3A = arith.constant 0 : i32
      %dma_start3A_49 = tpu.memref_slice %arg2[%mul3A_48, %dma_start3A] : memref<100000x128xf32, #tpu.memory_space<hbm>> -> memref<160x128xf32, #tpu.memory_space<hbm>>
      %dma_start3A_50 = arith.constant 0 : i32
      %dma_start3A_51 = tpu.memref_slice %arg2[%mul3A_48, %dma_start3A_50] : memref<100000x128xf32, #tpu.memory_space<hbm>> -> memref<160x128xf32, #tpu.memory_space<hbm>>
      tpu.enqueue_dma source(%dma_start3A_51 : memref<160x128xf32, #tpu.memory_space<hbm>>) target(%arg25 : memref<160x128xf32, #tpu.memory_space<vmem>>) target_semaphore(%arg30 : memref<!tpu.dma_semaphore, #tpu.memory_space<semaphore_mem>>)
      %dma_start3A_52 = tpu.memref_slice %arg3[%mul3A_48] : memref<100000xi32, #tpu.memory_space<hbm>> -> memref<160xi32, #tpu.memory_space<hbm>>
      %dma_start3A_53 = tpu.memref_slice %arg3[%mul3A_48] : memref<100000xi32, #tpu.memory_space<hbm>> -> memref<160xi32, #tpu.memory_space<hbm>>
      tpu.enqueue_dma source(%dma_start3A_53 : memref<160xi32, #tpu.memory_space<hbm>>) target(%arg26 : memref<160xi32, #tpu.memory_space<vmem>>) target_semaphore(%arg30 : memref<!tpu.dma_semaphore, #tpu.memory_space<semaphore_mem>>)
      %dma_start3A_54 = tpu.memref_slice %arg4[%mul3A_48] : memref<100000xi32, #tpu.memory_space<hbm>> -> memref<160xi32, #tpu.memory_space<hbm>>
      %dma_start3A_55 = tpu.memref_slice %arg4[%mul3A_48] : memref<100000xi32, #tpu.memory_space<hbm>> -> memref<160xi32, #tpu.memory_space<hbm>>
      tpu.enqueue_dma source(%dma_start3A_55 : memref<160xi32, #tpu.memory_space<hbm>>) target(%arg27 : memref<160xi32, #tpu.memory_space<vmem>>) target_semaphore(%arg30 : memref<!tpu.dma_semaphore, #tpu.memory_space<semaphore_mem>>)
      %dma_start3A_56 = tpu.memref_slice %arg5[%mul3A_48] : memref<100000xf32, #tpu.memory_space<hbm>> -> memref<160xf32, #tpu.memory_space<hbm>>
      %dma_start3A_57 = tpu.memref_slice %arg5[%mul3A_48] : memref<100000xf32, #tpu.memory_space<hbm>> -> memref<160xf32, #tpu.memory_space<hbm>>
      tpu.enqueue_dma source(%dma_start3A_57 : memref<160xf32, #tpu.memory_space<hbm>>) target(%arg28 : memref<160xf32, #tpu.memory_space<vmem>>) target_semaphore(%arg30 : memref<!tpu.dma_semaphore, #tpu.memory_space<semaphore_mem>>)
    } else {
    }
    %add3A_23 = arith.constant 0 : i32
    %add3A_24 = arith.addi %add3A, %add3A_23 : i32
    %lt3A_25 = arith.constant 625 : i32
    %lt3A_26 = arith.cmpi slt, %add3A_24, %lt3A_25 : i32
    %convert_element_type3A_27 = arith.extui %lt3A_26 : i1 to i32
    %cond3A_28 = arith.constant 0 : i32
    %cond3A_29 = arith.cmpi ne, %convert_element_type3A_27, %cond3A_28 : i32
    scf.if %cond3A_29 {
      %add3A_45 = arith.constant 0 : i32
      %add3A_46 = arith.addi %add3A, %add3A_45 : i32
      %mul3A_47 = arith.constant 160 : i32
      %mul3A_48 = arith.muli %add3A_46, %mul3A_47 : i32
      %dma_wait3A = arith.constant 0 : i32
      %dma_wait3A_49 = tpu.memref_slice %arg2[%mul3A_48, %dma_wait3A] : memref<100000x128xf32, #tpu.memory_space<hbm>> -> memref<160x128xf32, #tpu.memory_space<hbm>>
      %dma_wait3A_50 = arith.constant 0 : i32
      %dma_wait3A_51 = tpu.memref_slice %arg2[%mul3A_48, %dma_wait3A_50] : memref<100000x128xf32, #tpu.memory_space<hbm>> -> memref<160x128xf32, #tpu.memory_space<hbm>>
      tpu.wait_dma2 semaphore(%arg14 : memref<!tpu.dma_semaphore, #tpu.memory_space<semaphore_mem>>) src(%dma_wait3A_51 : memref<160x128xf32, #tpu.memory_space<hbm>>) dst(%arg9 : memref<160x128xf32, #tpu.memory_space<vmem>>)
      %dma_wait3A_52 = tpu.memref_slice %arg3[%mul3A_48] : memref<100000xi32, #tpu.memory_space<hbm>> -> memref<160xi32, #tpu.memory_space<hbm>>
      %dma_wait3A_53 = tpu.memref_slice %arg3[%mul3A_48] : memref<100000xi32, #tpu.memory_space<hbm>> -> memref<160xi32, #tpu.memory_space<hbm>>
      tpu.wait_dma2 semaphore(%arg14 : memref<!tpu.dma_semaphore, #tpu.memory_space<semaphore_mem>>) src(%dma_wait3A_53 : memref<160xi32, #tpu.memory_space<hbm>>) dst(%arg10 : memref<160xi32, #tpu.memory_space<vmem>>)
      %dma_wait3A_54 = tpu.memref_slice %arg4[%mul3A_48] : memref<100000xi32, #tpu.memory_space<hbm>> -> memref<160xi32, #tpu.memory_space<hbm>>
      %dma_wait3A_55 = tpu.memref_slice %arg4[%mul3A_48] : memref<100000xi32, #tpu.memory_space<hbm>> -> memref<160xi32, #tpu.memory_space<hbm>>
      tpu.wait_dma2 semaphore(%arg14 : memref<!tpu.dma_semaphore, #tpu.memory_space<semaphore_mem>>) src(%dma_wait3A_55 : memref<160xi32, #tpu.memory_space<hbm>>) dst(%arg11 : memref<160xi32, #tpu.memory_space<vmem>>)
      %dma_wait3A_56 = tpu.memref_slice %arg5[%mul3A_48] : memref<100000xf32, #tpu.memory_space<hbm>> -> memref<160xf32, #tpu.memory_space<hbm>>
      %dma_wait3A_57 = tpu.memref_slice %arg5[%mul3A_48] : memref<100000xf32, #tpu.memory_space<hbm>> -> memref<160xf32, #tpu.memory_space<hbm>>
      tpu.wait_dma2 semaphore(%arg14 : memref<!tpu.dma_semaphore, #tpu.memory_space<semaphore_mem>>) src(%dma_wait3A_57 : memref<160xf32, #tpu.memory_space<hbm>>) dst(%arg12 : memref<160xf32, #tpu.memory_space<vmem>>)
      %parallel_loop3A = arith.constant 0 : i32
      %parallel_loop3A_58 = arith.constant 10 : i32
      %parallel_loop3A_59 = arith.constant 1 : i32
      scf.for %parallel_loop3A_75 = %parallel_loop3A to %parallel_loop3A_58 step %parallel_loop3A_59  : i32 {
        %parallel_loop3A_76 = arith.constant 16 : i32
        %parallel_loop3A_77 = arith.muli %parallel_loop3A_75, %parallel_loop3A_76 : i32
        %parallel_loop3A_78 = arith.index_cast %parallel_loop3A_77 : i32 to index
        %parallel_loop3A_79 = tpu.vector_load %arg11[%parallel_loop3A_78] {strides = array<i32>} : memref<160xi32, #tpu.memory_space<vmem>>, vector<16xi32>,
        %parallel_loop3A_80 = vector.shape_cast %parallel_loop3A_79 : vector<16xi32> to vector<16xi32>
        %parallel_loop3A_81 = arith.constant 0 : i32
        %parallel_loop3A_82 = vector.broadcast %parallel_loop3A_81 : i32 to vector<16xi32>
        %parallel_loop3A_83 = arith.cmpi ne, %parallel_loop3A_80, %parallel_loop3A_82 : vector<16xi32>
        %parallel_loop3A_84 = arith.index_cast %parallel_loop3A_77 : i32 to index
        %parallel_loop3A_85 = tpu.vector_load %arg12[%parallel_loop3A_84] {strides = array<i32>} : memref<160xf32, #tpu.memory_space<vmem>>, vector<16xf32>,
        %parallel_loop3A_86 = vector.shape_cast %parallel_loop3A_85 : vector<16xf32> to vector<16xf32>
        %parallel_loop3A_87 = arith.constant 0.699999988 : f32
        %parallel_loop3A_88 = vector.broadcast %parallel_loop3A_87 : f32 to vector<16xf32>
        %parallel_loop3A_89 = arith.cmpf oge, %parallel_loop3A_86, %parallel_loop3A_88 : vector<16xf32>
        %parallel_loop3A_90 = arith.andi %parallel_loop3A_83, %parallel_loop3A_89 : vector<16xi1>
        %parallel_loop3A_91 = arith.index_cast %parallel_loop3A_77 : i32 to index
        %parallel_loop3A_92 = tpu.vector_load %arg10[%parallel_loop3A_91] {strides = array<i32>} : memref<160xi32, #tpu.memory_space<vmem>>, vector<16xi32>,
        %parallel_loop3A_93 = vector.shape_cast %parallel_loop3A_92 : vector<16xi32> to vector<16xi32>
        %parallel_loop3A_94 = arith.constant 64 : i32
        %parallel_loop3A_95 = vector.broadcast %parallel_loop3A_94 : i32 to vector<16xi32>
        %parallel_loop3A_96 = arith.select %parallel_loop3A_90, %parallel_loop3A_93, %parallel_loop3A_95 : vector<16xi1>, vector<16xi32>
        %parallel_loop3A_97 = arith.index_cast %parallel_loop3A_77 : i32 to index
        %parallel_loop3A_98 = tpu.vector_load %arg13[%parallel_loop3A_97] {strides = array<i32>} : memref<160xi32, #tpu.memory_space<vmem>>, vector<16xi32>,
        %parallel_loop3A_99 = vector.shape_cast %parallel_loop3A_98 : vector<16xi32> to vector<16xi32>
        %parallel_loop3A_100 = vector.shape_cast %parallel_loop3A_96 : vector<16xi32> to vector<16xi32>
        tpu.vector_store %arg13[%parallel_loop3A_97], %parallel_loop3A_100 {strides = array<i32>} : memref<160xi32, #tpu.memory_space<vmem>>, vector<16xi32>,
      } {sc.loop_unroll_factor = 2 : i64, sc.parallel_access}
      %dma_start3A = arith.constant 0 : i32
      %dma_start3A_60 = arith.constant 0 : i32
      %dma_start3A_61 = tpu.memref_slice %arg9[%dma_start3A, %dma_start3A_60] : memref<160x128xf32, #tpu.memory_space<vmem>> -> memref<80x128xf32, #tpu.memory_space<vmem>>
      %dma_start3A_62 = arith.constant 0 : i32
      %dma_start3A_63 = tpu.memref_slice %arg13[%dma_start3A_62] : memref<160xi32, #tpu.memory_space<vmem>> -> memref<80xi32, #tpu.memory_space<vmem>>
      %dma_start3A_64 = arith.constant 0 : i32
      %dma_start3A_65 = arith.constant 0 : i32
      %dma_start3A_66 = tpu.memref_slice %arg8[%dma_start3A_64, %dma_start3A_65] : memref<65x128xf32, #tpu.memory_space<vmem_shared>> -> memref<65x128xf32, #tpu.memory_space<vmem_shared>>
      tpu.enqueue_indirect_dma source(%dma_start3A_66 : memref<65x128xf32, #tpu.memory_space<vmem_shared>>) target(%dma_start3A_61 : memref<80x128xf32, #tpu.memory_space<vmem>>) offsets(%dma_start3A_63 : memref<80xi32, #tpu.memory_space<vmem>>) semaphore(%arg15 : memref<!tpu.dma_semaphore, #tpu.memory_space<semaphore_mem>>) {add = true}
      %dma_start3A_67 = arith.constant 80 : i32
      %dma_start3A_68 = arith.constant 0 : i32
      %dma_start3A_69 = tpu.memref_slice %arg9[%dma_start3A_67, %dma_start3A_68] : memref<160x128xf32, #tpu.memory_space<vmem>> -> memref<80x128xf32, #tpu.memory_space<vmem>>
      %dma_start3A_70 = arith.constant 80 : i32
      %dma_start3A_71 = tpu.memref_slice %arg13[%dma_start3A_70] : memref<160xi32, #tpu.memory_space<vmem>> -> memref<80xi32, #tpu.memory_space<vmem>>
      %dma_start3A_72 = arith.constant 0 : i32
      %dma_start3A_73 = arith.constant 0 : i32
      %dma_start3A_74 = tpu.memref_slice %arg8[%dma_start3A_72, %dma_start3A_73] : memref<65x128xf32, #tpu.memory_space<vmem_shared>> -> memref<65x128xf32, #tpu.memory_space<vmem_shared>>
      tpu.enqueue_indirect_dma source(%dma_start3A_74 : memref<65x128xf32, #tpu.memory_space<vmem_shared>>) target(%dma_start3A_69 : memref<80x128xf32, #tpu.memory_space<vmem>>) offsets(%dma_start3A_71 : memref<80xi32, #tpu.memory_space<vmem>>) semaphore(%arg15 : memref<!tpu.dma_semaphore, #tpu.memory_space<semaphore_mem>>) {add = true}
    } else {
    }
    %scan3A = arith.constant 0 : i32
    %scan3A_30 = arith.constant 0 : i32
    %scan3A_31 = arith.constant 5 : i32
    %scan3A_32 = arith.addi %scan3A_30, %scan3A_31 : i32
    %scan3A_33 = arith.constant 1 : i32
    scf.for %scan3A_45 = %scan3A_30 to %scan3A_32 step %scan3A_33  : i32 {
      %mul3A_46 = arith.constant 4 : i32
      %mul3A_47 = arith.muli %scan3A_45, %mul3A_46 : i32
      %add3A_48 = arith.constant 0 : i32
      %add3A_49 = arith.addi %mul3A_47, %add3A_48 : i32
      %add3A_50 = arith.constant 1 : i32
      %add3A_51 = arith.addi %add3A_49, %add3A_50 : i32
      %mul3A_52 = arith.constant 32 : i32
      %mul3A_53 = arith.muli %add3A_51, %mul3A_52 : i32
      %add3A_54 = arith.addi %add3A, %mul3A_53 : i32
      %lt3A_55 = arith.constant 625 : i32
      %lt3A_56 = arith.cmpi slt, %add3A_54, %lt3A_55 : i32
      %convert_element_type3A_57 = arith.extui %lt3A_56 : i1 to i32
      %cond3A_58 = arith.constant 0 : i32
      %cond3A_59 = arith.cmpi ne, %convert_element_type3A_57, %cond3A_58 : i32
      scf.if %cond3A_59 {
        %mul3A_237 = arith.constant 32 : i32
        %mul3A_238 = arith.muli %add3A_51, %mul3A_237 : i32
        %add3A_239 = arith.addi %add3A, %mul3A_238 : i32
        %mul3A_240 = arith.constant 160 : i32
        %mul3A_241 = arith.muli %add3A_239, %mul3A_240 : i32
        %dma_wait3A = arith.constant 0 : i32
        %dma_wait3A_242 = tpu.memref_slice %arg2[%mul3A_241, %dma_wait3A] : memref<100000x128xf32, #tpu.memory_space<hbm>> -> memref<160x128xf32, #tpu.memory_space<hbm>>
        %dma_wait3A_243 = arith.constant 0 : i32
        %dma_wait3A_244 = tpu.memref_slice %arg2[%mul3A_241, %dma_wait3A_243] : memref<100000x128xf32, #tpu.memory_space<hbm>> -> memref<160x128xf32, #tpu.memory_space<hbm>>
        tpu.wait_dma2 semaphore(%arg22 : memref<!tpu.dma_semaphore, #tpu.memory_space<semaphore_mem>>) src(%dma_wait3A_244 : memref<160x128xf32, #tpu.memory_space<hbm>>) dst(%arg17 : memref<160x128xf32, #tpu.memory_space<vmem>>)
        %dma_wait3A_245 = tpu.memref_slice %arg3[%mul3A_241] : memref<100000xi32, #tpu.memory_space<hbm>> -> memref<160xi32, #tpu.memory_space<hbm>>
        %dma_wait3A_246 = tpu.memref_slice %arg3[%mul3A_241] : memref<100000xi32, #tpu.memory_space<hbm>> -> memref<160xi32, #tpu.memory_space<hbm>>
        tpu.wait_dma2 semaphore(%arg22 : memref<!tpu.dma_semaphore, #tpu.memory_space<semaphore_mem>>) src(%dma_wait3A_246 : memref<160xi32, #tpu.memory_space<hbm>>) dst(%arg18 : memref<160xi32, #tpu.memory_space<vmem>>)
        %dma_wait3A_247 = tpu.memref_slice %arg4[%mul3A_241] : memref<100000xi32, #tpu.memory_space<hbm>> -> memref<160xi32, #tpu.memory_space<hbm>>
        %dma_wait3A_248 = tpu.memref_slice %arg4[%mul3A_241] : memref<100000xi32, #tpu.memory_space<hbm>> -> memref<160xi32, #tpu.memory_space<hbm>>
        tpu.wait_dma2 semaphore(%arg22 : memref<!tpu.dma_semaphore, #tpu.memory_space<semaphore_mem>>) src(%dma_wait3A_248 : memref<160xi32, #tpu.memory_space<hbm>>) dst(%arg19 : memref<160xi32, #tpu.memory_space<vmem>>)
        %dma_wait3A_249 = tpu.memref_slice %arg5[%mul3A_241] : memref<100000xf32, #tpu.memory_space<hbm>> -> memref<160xf32, #tpu.memory_space<hbm>>
        %dma_wait3A_250 = tpu.memref_slice %arg5[%mul3A_241] : memref<100000xf32, #tpu.memory_space<hbm>> -> memref<160xf32, #tpu.memory_space<hbm>>
        tpu.wait_dma2 semaphore(%arg22 : memref<!tpu.dma_semaphore, #tpu.memory_space<semaphore_mem>>) src(%dma_wait3A_250 : memref<160xf32, #tpu.memory_space<hbm>>) dst(%arg20 : memref<160xf32, #tpu.memory_space<vmem>>)
        %parallel_loop3A = arith.constant 0 : i32
        %parallel_loop3A_251 = arith.constant 10 : i32
        %parallel_loop3A_252 = arith.constant 1 : i32
        scf.for %parallel_loop3A_268 = %parallel_loop3A to %parallel_loop3A_251 step %parallel_loop3A_252  : i32 {
          %parallel_loop3A_269 = arith.constant 16 : i32
          %parallel_loop3A_270 = arith.muli %parallel_loop3A_268, %parallel_loop3A_269 : i32
          %parallel_loop3A_271 = arith.index_cast %parallel_loop3A_270 : i32 to index
          %parallel_loop3A_272 = tpu.vector_load %arg19[%parallel_loop3A_271] {strides = array<i32>} : memref<160xi32, #tpu.memory_space<vmem>>, vector<16xi32>,
          %parallel_loop3A_273 = vector.shape_cast %parallel_loop3A_272 : vector<16xi32> to vector<16xi32>
          %parallel_loop3A_274 = arith.constant 0 : i32
          %parallel_loop3A_275 = vector.broadcast %parallel_loop3A_274 : i32 to vector<16xi32>
          %parallel_loop3A_276 = arith.cmpi ne, %parallel_loop3A_273, %parallel_loop3A_275 : vector<16xi32>
          %parallel_loop3A_277 = arith.index_cast %parallel_loop3A_270 : i32 to index
          %parallel_loop3A_278 = tpu.vector_load %arg20[%parallel_loop3A_277] {strides = array<i32>} : memref<160xf32, #tpu.memory_space<vmem>>, vector<16xf32>,
          %parallel_loop3A_279 = vector.shape_cast %parallel_loop3A_278 : vector<16xf32> to vector<16xf32>
          %parallel_loop3A_280 = arith.constant 0.699999988 : f32
          %parallel_loop3A_281 = vector.broadcast %parallel_loop3A_280 : f32 to vector<16xf32>
          %parallel_loop3A_282 = arith.cmpf oge, %parallel_loop3A_279, %parallel_loop3A_281 : vector<16xf32>
          %parallel_loop3A_283 = arith.andi %parallel_loop3A_276, %parallel_loop3A_282 : vector<16xi1>
          %parallel_loop3A_284 = arith.index_cast %parallel_loop3A_270 : i32 to index
          %parallel_loop3A_285 = tpu.vector_load %arg18[%parallel_loop3A_284] {strides = array<i32>} : memref<160xi32, #tpu.memory_space<vmem>>, vector<16xi32>,
          %parallel_loop3A_286 = vector.shape_cast %parallel_loop3A_285 : vector<16xi32> to vector<16xi32>
          %parallel_loop3A_287 = arith.constant 64 : i32
          %parallel_loop3A_288 = vector.broadcast %parallel_loop3A_287 : i32 to vector<16xi32>
          %parallel_loop3A_289 = arith.select %parallel_loop3A_283, %parallel_loop3A_286, %parallel_loop3A_288 : vector<16xi1>, vector<16xi32>
          %parallel_loop3A_290 = arith.index_cast %parallel_loop3A_270 : i32 to index
          %parallel_loop3A_291 = tpu.vector_load %arg21[%parallel_loop3A_290] {strides = array<i32>} : memref<160xi32, #tpu.memory_space<vmem>>, vector<16xi32>,
          %parallel_loop3A_292 = vector.shape_cast %parallel_loop3A_291 : vector<16xi32> to vector<16xi32>
          %parallel_loop3A_293 = vector.shape_cast %parallel_loop3A_289 : vector<16xi32> to vector<16xi32>
          tpu.vector_store %arg21[%parallel_loop3A_290], %parallel_loop3A_293 {strides = array<i32>} : memref<160xi32, #tpu.memory_space<vmem>>, vector<16xi32>,
        } {sc.loop_unroll_factor = 2 : i64, sc.parallel_access}
        %dma_start3A = arith.constant 0 : i32
        %dma_start3A_253 = arith.constant 0 : i32
        %dma_start3A_254 = tpu.memref_slice %arg17[%dma_start3A, %dma_start3A_253] : memref<160x128xf32, #tpu.memory_space<vmem>> -> memref<80x128xf32, #tpu.memory_space<vmem>>
        %dma_start3A_255 = arith.constant 0 : i32
        %dma_start3A_256 = tpu.memref_slice %arg21[%dma_start3A_255] : memref<160xi32, #tpu.memory_space<vmem>> -> memref<80xi32, #tpu.memory_space<vmem>>
        %dma_start3A_257 = arith.constant 0 : i32
        %dma_start3A_258 = arith.constant 0 : i32
        %dma_start3A_259 = tpu.memref_slice %arg8[%dma_start3A_257, %dma_start3A_258] : memref<65x128xf32, #tpu.memory_space<vmem_shared>> -> memref<65x128xf32, #tpu.memory_space<vmem_shared>>
        tpu.enqueue_indirect_dma source(%dma_start3A_259 : memref<65x128xf32, #tpu.memory_space<vmem_shared>>) target(%dma_start3A_254 : memref<80x128xf32, #tpu.memory_space<vmem>>) offsets(%dma_start3A_256 : memref<80xi32, #tpu.memory_space<vmem>>) semaphore(%arg23 : memref<!tpu.dma_semaphore, #tpu.memory_space<semaphore_mem>>) {add = true}
        %dma_start3A_260 = arith.constant 80 : i32
        %dma_start3A_261 = arith.constant 0 : i32
        %dma_start3A_262 = tpu.memref_slice %arg17[%dma_start3A_260, %dma_start3A_261] : memref<160x128xf32, #tpu.memory_space<vmem>> -> memref<80x128xf32, #tpu.memory_space<vmem>>
        %dma_start3A_263 = arith.constant 80 : i32
        %dma_start3A_264 = tpu.memref_slice %arg21[%dma_start3A_263] : memref<160xi32, #tpu.memory_space<vmem>> -> memref<80xi32, #tpu.memory_space<vmem>>
        %dma_start3A_265 = arith.constant 0 : i32
        %dma_start3A_266 = arith.constant 0 : i32
        %dma_start3A_267 = tpu.memref_slice %arg8[%dma_start3A_265, %dma_start3A_266] : memref<65x128xf32, #tpu.memory_space<vmem_shared>> -> memref<65x128xf32, #tpu.memory_space<vmem_shared>>
        tpu.enqueue_indirect_dma source(%dma_start3A_267 : memref<65x128xf32, #tpu.memory_space<vmem_shared>>) target(%dma_start3A_262 : memref<80x128xf32, #tpu.memory_space<vmem>>) offsets(%dma_start3A_264 : memref<80xi32, #tpu.memory_space<vmem>>) semaphore(%arg23 : memref<!tpu.dma_semaphore, #tpu.memory_space<semaphore_mem>>) {add = true}
      } else {
      }
      %mul3A_60 = arith.constant 32 : i32
      %mul3A_61 = arith.muli %add3A_49, %mul3A_60 : i32
      %add3A_62 = arith.addi %add3A, %mul3A_61 : i32
      %lt3A_63 = arith.constant 625 : i32
      %lt3A_64 = arith.cmpi slt, %add3A_62, %lt3A_63 : i32
      %convert_element_type3A_65 = arith.extui %lt3A_64 : i1 to i32
      %cond3A_66 = arith.constant 0 : i32
      %cond3A_67 = arith.cmpi ne, %convert_element_type3A_65, %cond3A_66 : i32
      scf.if %cond3A_67 {
        %dma_wait3A = arith.constant 0 : i32
        %dma_wait3A_237 = arith.constant 0 : i32
        %dma_wait3A_238 = tpu.memref_slice %arg9[%dma_wait3A, %dma_wait3A_237] : memref<160x128xf32, #tpu.memory_space<vmem>> -> memref<80x128xf32, #tpu.memory_space<vmem>>
        %dma_wait3A_239 = arith.constant 0 : i32
        %dma_wait3A_240 = tpu.memref_slice %arg13[%dma_wait3A_239] : memref<160xi32, #tpu.memory_space<vmem>> -> memref<80xi32, #tpu.memory_space<vmem>>
        %dma_wait3A_241 = arith.constant 0 : i32
        %dma_wait3A_242 = arith.constant 0 : i32
        %dma_wait3A_243 = tpu.memref_slice %arg8[%dma_wait3A_241, %dma_wait3A_242] : memref<65x128xf32, #tpu.memory_space<vmem_shared>> -> memref<65x128xf32, #tpu.memory_space<vmem_shared>>
        tpu.wait_indirect_dma semaphore(%arg15 : memref<!tpu.dma_semaphore, #tpu.memory_space<semaphore_mem>>) src(%dma_wait3A_243 : memref<65x128xf32, #tpu.memory_space<vmem_shared>>) dst(%dma_wait3A_238 : memref<80x128xf32, #tpu.memory_space<vmem>>)
        %dma_wait3A_244 = arith.constant 80 : i32
        %dma_wait3A_245 = arith.constant 0 : i32
        %dma_wait3A_246 = tpu.memref_slice %arg9[%dma_wait3A_244, %dma_wait3A_245] : memref<160x128xf32, #tpu.memory_space<vmem>> -> memref<80x128xf32, #tpu.memory_space<vmem>>
        %dma_wait3A_247 = arith.constant 80 : i32
        %dma_wait3A_248 = tpu.memref_slice %arg13[%dma_wait3A_247] : memref<160xi32, #tpu.memory_space<vmem>> -> memref<80xi32, #tpu.memory_space<vmem>>
        %dma_wait3A_249 = arith.constant 0 : i32
        %dma_wait3A_250 = arith.constant 0 : i32
        %dma_wait3A_251 = tpu.memref_slice %arg8[%dma_wait3A_249, %dma_wait3A_250] : memref<65x128xf32, #tpu.memory_space<vmem_shared>> -> memref<65x128xf32, #tpu.memory_space<vmem_shared>>
        tpu.wait_indirect_dma semaphore(%arg15 : memref<!tpu.dma_semaphore, #tpu.memory_space<semaphore_mem>>) src(%dma_wait3A_251 : memref<65x128xf32, #tpu.memory_space<vmem_shared>>) dst(%dma_wait3A_246 : memref<80x128xf32, #tpu.memory_space<vmem>>)
        %mul3A_252 = arith.constant 32 : i32
        %mul3A_253 = arith.muli %add3A_49, %mul3A_252 : i32
        %add3A_254 = arith.addi %add3A, %mul3A_253 : i32
        %mul3A_255 = arith.constant 160 : i32
        %mul3A_256 = arith.muli %add3A_254, %mul3A_255 : i32
        %dma_start3A = arith.constant 0 : i32
        %dma_start3A_257 = tpu.memref_slice %arg7[%mul3A_256, %dma_start3A] : memref<100000x128xf32, #tpu.memory_space<hbm>> -> memref<160x128xf32, #tpu.memory_space<hbm>>
        %dma_start3A_258 = arith.constant 0 : i32
        %dma_start3A_259 = tpu.memref_slice %arg7[%mul3A_256, %dma_start3A_258] : memref<100000x128xf32, #tpu.memory_space<hbm>> -> memref<160x128xf32, #tpu.memory_space<hbm>>
        tpu.enqueue_dma source(%arg9 : memref<160x128xf32, #tpu.memory_space<vmem>>) target(%dma_start3A_259 : memref<160x128xf32, #tpu.memory_space<hbm>>) target_semaphore(%arg16 : memref<!tpu.dma_semaphore, #tpu.memory_space<semaphore_mem>>)
      } else {
      }
      %sub3A = arith.constant 1 : i32
      %sub3A_68 = arith.subi %add3A_49, %sub3A : i32
      %mul3A_69 = arith.constant 32 : i32
      %mul3A_70 = arith.muli %sub3A_68, %mul3A_69 : i32
      %add3A_71 = arith.addi %add3A, %mul3A_70 : i32
      %ge3A_72 = arith.constant 0 : i32
      %ge3A_73 = arith.cmpi sge, %add3A_71, %ge3A_72 : i32
      %mul3A_74 = arith.constant 32 : i32
      %mul3A_75 = arith.muli %sub3A_68, %mul3A_74 : i32
      %add3A_76 = arith.addi %add3A, %mul3A_75 : i32
      %lt3A_77 = arith.constant 625 : i32
      %lt3A_78 = arith.cmpi slt, %add3A_76, %lt3A_77 : i32
      %and3A_79 = arith.andi %ge3A_73, %lt3A_78 : i1
      %convert_element_type3A_80 = arith.extui %and3A_79 : i1 to i32
      %cond3A_81 = arith.constant 0 : i32
      %cond3A_82 = arith.cmpi ne, %convert_element_type3A_80, %cond3A_81 : i32
      scf.if %cond3A_82 {
        %mul3A_237 = arith.constant 32 : i32
        %mul3A_238 = arith.muli %sub3A_68, %mul3A_237 : i32
        %add3A_239 = arith.addi %add3A, %mul3A_238 : i32
        %mul3A_240 = arith.constant 160 : i32
        %mul3A_241 = arith.muli %add3A_239, %mul3A_240 : i32
        %dma_wait3A = arith.constant 0 : i32
        %dma_wait3A_242 = tpu.memref_slice %arg7[%mul3A_241, %dma_wait3A] : memref<100000x128xf32, #tpu.memory_space<hbm>> -> memref<160x128xf32, #tpu.memory_space<hbm>>
        %dma_wait3A_243 = arith.constant 0 : i32
        %dma_wait3A_244 = tpu.memref_slice %arg7[%mul3A_241, %dma_wait3A_243] : memref<100000x128xf32, #tpu.memory_space<hbm>> -> memref<160x128xf32, #tpu.memory_space<hbm>>
        tpu.wait_dma2 semaphore(%arg40 : memref<!tpu.dma_semaphore, #tpu.memory_space<semaphore_mem>>) src(%arg33 : memref<160x128xf32, #tpu.memory_space<vmem>>) dst(%dma_wait3A_244 : memref<160x128xf32, #tpu.memory_space<hbm>>)
      } else {
      }
      %add3A_83 = arith.constant 3 : i32
      %add3A_84 = arith.addi %add3A_49, %add3A_83 : i32
      %mul3A_85 = arith.constant 32 : i32
      %mul3A_86 = arith.muli %add3A_84, %mul3A_85 : i32
      %add3A_87 = arith.addi %add3A, %mul3A_86 : i32
      %lt3A_88 = arith.constant 625 : i32
      %lt3A_89 = arith.cmpi slt, %add3A_87, %lt3A_88 : i32
      %convert_element_type3A_90 = arith.extui %lt3A_89 : i1 to i32
      %cond3A_91 = arith.constant 0 : i32
      %cond3A_92 = arith.cmpi ne, %convert_element_type3A_90, %cond3A_91 : i32
      scf.if %cond3A_92 {
        %mul3A_237 = arith.constant 32 : i32
        %mul3A_238 = arith.muli %add3A_84, %mul3A_237 : i32
        %add3A_239 = arith.addi %add3A, %mul3A_238 : i32
        %mul3A_240 = arith.constant 160 : i32
        %mul3A_241 = arith.muli %add3A_239, %mul3A_240 : i32
        %dma_start3A = arith.constant 0 : i32
        %dma_start3A_242 = tpu.memref_slice %arg2[%mul3A_241, %dma_start3A] : memref<100000x128xf32, #tpu.memory_space<hbm>> -> memref<160x128xf32, #tpu.memory_space<hbm>>
        %dma_start3A_243 = arith.constant 0 : i32
        %dma_start3A_244 = tpu.memref_slice %arg2[%mul3A_241, %dma_start3A_243] : memref<100000x128xf32, #tpu.memory_space<hbm>> -> memref<160x128xf32, #tpu.memory_space<hbm>>
        tpu.enqueue_dma source(%dma_start3A_244 : memref<160x128xf32, #tpu.memory_space<hbm>>) target(%arg33 : memref<160x128xf32, #tpu.memory_space<vmem>>) target_semaphore(%arg38 : memref<!tpu.dma_semaphore, #tpu.memory_space<semaphore_mem>>)
        %dma_start3A_245 = tpu.memref_slice %arg3[%mul3A_241] : memref<100000xi32, #tpu.memory_space<hbm>> -> memref<160xi32, #tpu.memory_space<hbm>>
        %dma_start3A_246 = tpu.memref_slice %arg3[%mul3A_241] : memref<100000xi32, #tpu.memory_space<hbm>> -> memref<160xi32, #tpu.memory_space<hbm>>
        tpu.enqueue_dma source(%dma_start3A_246 : memref<160xi32, #tpu.memory_space<hbm>>) target(%arg34 : memref<160xi32, #tpu.memory_space<vmem>>) target_semaphore(%arg38 : memref<!tpu.dma_semaphore, #tpu.memory_space<semaphore_mem>>)
        %dma_start3A_247 = tpu.memref_slice %arg4[%mul3A_241] : memref<100000xi32, #tpu.memory_space<hbm>> -> memref<160xi32, #tpu.memory_space<hbm>>
        %dma_start3A_248 = tpu.memref_slice %arg4[%mul3A_241] : memref<100000xi32, #tpu.memory_space<hbm>> -> memref<160xi32, #tpu.memory_space<hbm>>
        tpu.enqueue_dma source(%dma_start3A_248 : memref<160xi32, #tpu.memory_space<hbm>>) target(%arg35 : memref<160xi32, #tpu.memory_space<vmem>>) target_semaphore(%arg38 : memref<!tpu.dma_semaphore, #tpu.memory_space<semaphore_mem>>)
        %dma_start3A_249 = tpu.memref_slice %arg5[%mul3A_241] : memref<100000xf32, #tpu.memory_space<hbm>> -> memref<160xf32, #tpu.memory_space<hbm>>
        %dma_start3A_250 = tpu.memref_slice %arg5[%mul3A_241] : memref<100000xf32, #tpu.memory_space<hbm>> -> memref<160xf32, #tpu.memory_space<hbm>>
        tpu.enqueue_dma source(%dma_start3A_250 : memref<160xf32, #tpu.memory_space<hbm>>) target(%arg36 : memref<160xf32, #tpu.memory_space<vmem>>) target_semaphore(%arg38 : memref<!tpu.dma_semaphore, #tpu.memory_space<semaphore_mem>>)
      } else {
      }
      %mul3A_93 = arith.constant 4 : i32
      %mul3A_94 = arith.muli %scan3A_45, %mul3A_93 : i32
      %add3A_95 = arith.constant 1 : i32
      %add3A_96 = arith.addi %mul3A_94, %add3A_95 : i32
      %add3A_97 = arith.constant 1 : i32
      %add3A_98 = arith.addi %add3A_96, %add3A_97 : i32
      %mul3A_99 = arith.constant 32 : i32
      %mul3A_100 = arith.muli %add3A_98, %mul3A_99 : i32
      %add3A_101 = arith.addi %add3A, %mul3A_100 : i32
      %lt3A_102 = arith.constant 625 : i32
      %lt3A_103 = arith.cmpi slt, %add3A_101, %lt3A_102 : i32
      %convert_element_type3A_104 = arith.extui %lt3A_103 : i1 to i32
      %cond3A_105 = arith.constant 0 : i32
      %cond3A_106 = arith.cmpi ne, %convert_element_type3A_104, %cond3A_105 : i32
      scf.if %cond3A_106 {
        %mul3A_237 = arith.constant 32 : i32
        %mul3A_238 = arith.muli %add3A_98, %mul3A_237 : i32
        %add3A_239 = arith.addi %add3A, %mul3A_238 : i32
        %mul3A_240 = arith.constant 160 : i32
        %mul3A_241 = arith.muli %add3A_239, %mul3A_240 : i32
        %dma_wait3A = arith.constant 0 : i32
        %dma_wait3A_242 = tpu.memref_slice %arg2[%mul3A_241, %dma_wait3A] : memref<100000x128xf32, #tpu.memory_space<hbm>> -> memref<160x128xf32, #tpu.memory_space<hbm>>
        %dma_wait3A_243 = arith.constant 0 : i32
        %dma_wait3A_244 = tpu.memref_slice %arg2[%mul3A_241, %dma_wait3A_243] : memref<100000x128xf32, #tpu.memory_space<hbm>> -> memref<160x128xf32, #tpu.memory_space<hbm>>
        tpu.wait_dma2 semaphore(%arg30 : memref<!tpu.dma_semaphore, #tpu.memory_space<semaphore_mem>>) src(%dma_wait3A_244 : memref<160x128xf32, #tpu.memory_space<hbm>>) dst(%arg25 : memref<160x128xf32, #tpu.memory_space<vmem>>)
        %dma_wait3A_245 = tpu.memref_slice %arg3[%mul3A_241] : memref<100000xi32, #tpu.memory_space<hbm>> -> memref<160xi32, #tpu.memory_space<hbm>>
        %dma_wait3A_246 = tpu.memref_slice %arg3[%mul3A_241] : memref<100000xi32, #tpu.memory_space<hbm>> -> memref<160xi32, #tpu.memory_space<hbm>>
        tpu.wait_dma2 semaphore(%arg30 : memref<!tpu.dma_semaphore, #tpu.memory_space<semaphore_mem>>) src(%dma_wait3A_246 : memref<160xi32, #tpu.memory_space<hbm>>) dst(%arg26 : memref<160xi32, #tpu.memory_space<vmem>>)
        %dma_wait3A_247 = tpu.memref_slice %arg4[%mul3A_241] : memref<100000xi32, #tpu.memory_space<hbm>> -> memref<160xi32, #tpu.memory_space<hbm>>
        %dma_wait3A_248 = tpu.memref_slice %arg4[%mul3A_241] : memref<100000xi32, #tpu.memory_space<hbm>> -> memref<160xi32, #tpu.memory_space<hbm>>
        tpu.wait_dma2 semaphore(%arg30 : memref<!tpu.dma_semaphore, #tpu.memory_space<semaphore_mem>>) src(%dma_wait3A_248 : memref<160xi32, #tpu.memory_space<hbm>>) dst(%arg27 : memref<160xi32, #tpu.memory_space<vmem>>)
        %dma_wait3A_249 = tpu.memref_slice %arg5[%mul3A_241] : memref<100000xf32, #tpu.memory_space<hbm>> -> memref<160xf32, #tpu.memory_space<hbm>>
        %dma_wait3A_250 = tpu.memref_slice %arg5[%mul3A_241] : memref<100000xf32, #tpu.memory_space<hbm>> -> memref<160xf32, #tpu.memory_space<hbm>>
        tpu.wait_dma2 semaphore(%arg30 : memref<!tpu.dma_semaphore, #tpu.memory_space<semaphore_mem>>) src(%dma_wait3A_250 : memref<160xf32, #tpu.memory_space<hbm>>) dst(%arg28 : memref<160xf32, #tpu.memory_space<vmem>>)
        %parallel_loop3A = arith.constant 0 : i32
        %parallel_loop3A_251 = arith.constant 10 : i32
        %parallel_loop3A_252 = arith.constant 1 : i32
        scf.for %parallel_loop3A_268 = %parallel_loop3A to %parallel_loop3A_251 step %parallel_loop3A_252  : i32 {
          %parallel_loop3A_269 = arith.constant 16 : i32
          %parallel_loop3A_270 = arith.muli %parallel_loop3A_268, %parallel_loop3A_269 : i32
          %parallel_loop3A_271 = arith.index_cast %parallel_loop3A_270 : i32 to index
          %parallel_loop3A_272 = tpu.vector_load %arg27[%parallel_loop3A_271] {strides = array<i32>} : memref<160xi32, #tpu.memory_space<vmem>>, vector<16xi32>,
          %parallel_loop3A_273 = vector.shape_cast %parallel_loop3A_272 : vector<16xi32> to vector<16xi32>
          %parallel_loop3A_274 = arith.constant 0 : i32
          %parallel_loop3A_275 = vector.broadcast %parallel_loop3A_274 : i32 to vector<16xi32>
          %parallel_loop3A_276 = arith.cmpi ne, %parallel_loop3A_273, %parallel_loop3A_275 : vector<16xi32>
          %parallel_loop3A_277 = arith.index_cast %parallel_loop3A_270 : i32 to index
          %parallel_loop3A_278 = tpu.vector_load %arg28[%parallel_loop3A_277] {strides = array<i32>} : memref<160xf32, #tpu.memory_space<vmem>>, vector<16xf32>,
          %parallel_loop3A_279 = vector.shape_cast %parallel_loop3A_278 : vector<16xf32> to vector<16xf32>
          %parallel_loop3A_280 = arith.constant 0.699999988 : f32
          %parallel_loop3A_281 = vector.broadcast %parallel_loop3A_280 : f32 to vector<16xf32>
          %parallel_loop3A_282 = arith.cmpf oge, %parallel_loop3A_279, %parallel_loop3A_281 : vector<16xf32>
          %parallel_loop3A_283 = arith.andi %parallel_loop3A_276, %parallel_loop3A_282 : vector<16xi1>
          %parallel_loop3A_284 = arith.index_cast %parallel_loop3A_270 : i32 to index
          %parallel_loop3A_285 = tpu.vector_load %arg26[%parallel_loop3A_284] {strides = array<i32>} : memref<160xi32, #tpu.memory_space<vmem>>, vector<16xi32>,
          %parallel_loop3A_286 = vector.shape_cast %parallel_loop3A_285 : vector<16xi32> to vector<16xi32>
          %parallel_loop3A_287 = arith.constant 64 : i32
          %parallel_loop3A_288 = vector.broadcast %parallel_loop3A_287 : i32 to vector<16xi32>
          %parallel_loop3A_289 = arith.select %parallel_loop3A_283, %parallel_loop3A_286, %parallel_loop3A_288 : vector<16xi1>, vector<16xi32>
          %parallel_loop3A_290 = arith.index_cast %parallel_loop3A_270 : i32 to index
          %parallel_loop3A_291 = tpu.vector_load %arg29[%parallel_loop3A_290] {strides = array<i32>} : memref<160xi32, #tpu.memory_space<vmem>>, vector<16xi32>,
          %parallel_loop3A_292 = vector.shape_cast %parallel_loop3A_291 : vector<16xi32> to vector<16xi32>
          %parallel_loop3A_293 = vector.shape_cast %parallel_loop3A_289 : vector<16xi32> to vector<16xi32>
          tpu.vector_store %arg29[%parallel_loop3A_290], %parallel_loop3A_293 {strides = array<i32>} : memref<160xi32, #tpu.memory_space<vmem>>, vector<16xi32>,
        } {sc.loop_unroll_factor = 2 : i64, sc.parallel_access}
        %dma_start3A = arith.constant 0 : i32
        %dma_start3A_253 = arith.constant 0 : i32
        %dma_start3A_254 = tpu.memref_slice %arg25[%dma_start3A, %dma_start3A_253] : memref<160x128xf32, #tpu.memory_space<vmem>> -> memref<80x128xf32, #tpu.memory_space<vmem>>
        %dma_start3A_255 = arith.constant 0 : i32
        %dma_start3A_256 = tpu.memref_slice %arg29[%dma_start3A_255] : memref<160xi32, #tpu.memory_space<vmem>> -> memref<80xi32, #tpu.memory_space<vmem>>
        %dma_start3A_257 = arith.constant 0 : i32
        %dma_start3A_258 = arith.constant 0 : i32
        %dma_start3A_259 = tpu.memref_slice %arg8[%dma_start3A_257, %dma_start3A_258] : memref<65x128xf32, #tpu.memory_space<vmem_shared>> -> memref<65x128xf32, #tpu.memory_space<vmem_shared>>
        tpu.enqueue_indirect_dma source(%dma_start3A_259 : memref<65x128xf32, #tpu.memory_space<vmem_shared>>) target(%dma_start3A_254 : memref<80x128xf32, #tpu.memory_space<vmem>>) offsets(%dma_start3A_256 : memref<80xi32, #tpu.memory_space<vmem>>) semaphore(%arg31 : memref<!tpu.dma_semaphore, #tpu.memory_space<semaphore_mem>>) {add = true}
        %dma_start3A_260 = arith.constant 80 : i32
        %dma_start3A_261 = arith.constant 0 : i32
        %dma_start3A_262 = tpu.memref_slice %arg25[%dma_start3A_260, %dma_start3A_261] : memref<160x128xf32, #tpu.memory_space<vmem>> -> memref<80x128xf32, #tpu.memory_space<vmem>>
        %dma_start3A_263 = arith.constant 80 : i32
        %dma_start3A_264 = tpu.memref_slice %arg29[%dma_start3A_263] : memref<160xi32, #tpu.memory_space<vmem>> -> memref<80xi32, #tpu.memory_space<vmem>>
        %dma_start3A_265 = arith.constant 0 : i32
        %dma_start3A_266 = arith.constant 0 : i32
        %dma_start3A_267 = tpu.memref_slice %arg8[%dma_start3A_265, %dma_start3A_266] : memref<65x128xf32, #tpu.memory_space<vmem_shared>> -> memref<65x128xf32, #tpu.memory_space<vmem_shared>>
        tpu.enqueue_indirect_dma source(%dma_start3A_267 : memref<65x128xf32, #tpu.memory_space<vmem_shared>>) target(%dma_start3A_262 : memref<80x128xf32, #tpu.memory_space<vmem>>) offsets(%dma_start3A_264 : memref<80xi32, #tpu.memory_space<vmem>>) semaphore(%arg31 : memref<!tpu.dma_semaphore, #tpu.memory_space<semaphore_mem>>) {add = true}
      } else {
      }
      %mul3A_107 = arith.constant 32 : i32
      %mul3A_108 = arith.muli %add3A_96, %mul3A_107 : i32
      %add3A_109 = arith.addi %add3A, %mul3A_108 : i32
      %lt3A_110 = arith.constant 625 : i32
      %lt3A_111 = arith.cmpi slt, %add3A_109, %lt3A_110 : i32
      %convert_element_type3A_112 = arith.extui %lt3A_111 : i1 to i32
      %cond3A_113 = arith.constant 0 : i32
      %cond3A_114 = arith.cmpi ne, %convert_element_type3A_112, %cond3A_113 : i32
      scf.if %cond3A_114 {
        %dma_wait3A = arith.constant 0 : i32
        %dma_wait3A_237 = arith.constant 0 : i32
        %dma_wait3A_238 = tpu.memref_slice %arg17[%dma_wait3A, %dma_wait3A_237] : memref<160x128xf32, #tpu.memory_space<vmem>> -> memref<80x128xf32, #tpu.memory_space<vmem>>
        %dma_wait3A_239 = arith.constant 0 : i32
        %dma_wait3A_240 = tpu.memref_slice %arg21[%dma_wait3A_239] : memref<160xi32, #tpu.memory_space<vmem>> -> memref<80xi32, #tpu.memory_space<vmem>>
        %dma_wait3A_241 = arith.constant 0 : i32
        %dma_wait3A_242 = arith.constant 0 : i32
        %dma_wait3A_243 = tpu.memref_slice %arg8[%dma_wait3A_241, %dma_wait3A_242] : memref<65x128xf32, #tpu.memory_space<vmem_shared>> -> memref<65x128xf32, #tpu.memory_space<vmem_shared>>
        tpu.wait_indirect_dma semaphore(%arg23 : memref<!tpu.dma_semaphore, #tpu.memory_space<semaphore_mem>>) src(%dma_wait3A_243 : memref<65x128xf32, #tpu.memory_space<vmem_shared>>) dst(%dma_wait3A_238 : memref<80x128xf32, #tpu.memory_space<vmem>>)
        %dma_wait3A_244 = arith.constant 80 : i32
        %dma_wait3A_245 = arith.constant 0 : i32
        %dma_wait3A_246 = tpu.memref_slice %arg17[%dma_wait3A_244, %dma_wait3A_245] : memref<160x128xf32, #tpu.memory_space<vmem>> -> memref<80x128xf32, #tpu.memory_space<vmem>>
        %dma_wait3A_247 = arith.constant 80 : i32
        %dma_wait3A_248 = tpu.memref_slice %arg21[%dma_wait3A_247] : memref<160xi32, #tpu.memory_space<vmem>> -> memref<80xi32, #tpu.memory_space<vmem>>
        %dma_wait3A_249 = arith.constant 0 : i32
        %dma_wait3A_250 = arith.constant 0 : i32
        %dma_wait3A_251 = tpu.memref_slice %arg8[%dma_wait3A_249, %dma_wait3A_250] : memref<65x128xf32, #tpu.memory_space<vmem_shared>> -> memref<65x128xf32, #tpu.memory_space<vmem_shared>>
        tpu.wait_indirect_dma semaphore(%arg23 : memref<!tpu.dma_semaphore, #tpu.memory_space<semaphore_mem>>) src(%dma_wait3A_251 : memref<65x128xf32, #tpu.memory_space<vmem_shared>>) dst(%dma_wait3A_246 : memref<80x128xf32, #tpu.memory_space<vmem>>)
        %mul3A_252 = arith.constant 32 : i32
        %mul3A_253 = arith.muli %add3A_96, %mul3A_252 : i32
        %add3A_254 = arith.addi %add3A, %mul3A_253 : i32
        %mul3A_255 = arith.constant 160 : i32
        %mul3A_256 = arith.muli %add3A_254, %mul3A_255 : i32
        %dma_start3A = arith.constant 0 : i32
        %dma_start3A_257 = tpu.memref_slice %arg7[%mul3A_256, %dma_start3A] : memref<100000x128xf32, #tpu.memory_space<hbm>> -> memref<160x128xf32, #tpu.memory_space<hbm>>
        %dma_start3A_258 = arith.constant 0 : i32
        %dma_start3A_259 = tpu.memref_slice %arg7[%mul3A_256, %dma_start3A_258] : memref<100000x128xf32, #tpu.memory_space<hbm>> -> memref<160x128xf32, #tpu.memory_space<hbm>>
        tpu.enqueue_dma source(%arg17 : memref<160x128xf32, #tpu.memory_space<vmem>>) target(%dma_start3A_259 : memref<160x128xf32, #tpu.memory_space<hbm>>) target_semaphore(%arg24 : memref<!tpu.dma_semaphore, #tpu.memory_space<semaphore_mem>>)
      } else {
      }
      %sub3A_115 = arith.constant 1 : i32
      %sub3A_116 = arith.subi %add3A_96, %sub3A_115 : i32
      %mul3A_117 = arith.constant 32 : i32
      %mul3A_118 = arith.muli %sub3A_116, %mul3A_117 : i32
      %add3A_119 = arith.addi %add3A, %mul3A_118 : i32
      %ge3A_120 = arith.constant 0 : i32
      %ge3A_121 = arith.cmpi sge, %add3A_119, %ge3A_120 : i32
      %mul3A_122 = arith.constant 32 : i32
      %mul3A_123 = arith.muli %sub3A_116, %mul3A_122 : i32
      %add3A_124 = arith.addi %add3A, %mul3A_123 : i32
      %lt3A_125 = arith.constant 625 : i32
      %lt3A_126 = arith.cmpi slt, %add3A_124, %lt3A_125 : i32
      %and3A_127 = arith.andi %ge3A_121, %lt3A_126 : i1
      %convert_element_type3A_128 = arith.extui %and3A_127 : i1 to i32
      %cond3A_129 = arith.constant 0 : i32
      %cond3A_130 = arith.cmpi ne, %convert_element_type3A_128, %cond3A_129 : i32
      scf.if %cond3A_130 {
        %mul3A_237 = arith.constant 32 : i32
        %mul3A_238 = arith.muli %sub3A_116, %mul3A_237 : i32
        %add3A_239 = arith.addi %add3A, %mul3A_238 : i32
        %mul3A_240 = arith.constant 160 : i32
        %mul3A_241 = arith.muli %add3A_239, %mul3A_240 : i32
        %dma_wait3A = arith.constant 0 : i32
        %dma_wait3A_242 = tpu.memref_slice %arg7[%mul3A_241, %dma_wait3A] : memref<100000x128xf32, #tpu.memory_space<hbm>> -> memref<160x128xf32, #tpu.memory_space<hbm>>
        %dma_wait3A_243 = arith.constant 0 : i32
        %dma_wait3A_244 = tpu.memref_slice %arg7[%mul3A_241, %dma_wait3A_243] : memref<100000x128xf32, #tpu.memory_space<hbm>> -> memref<160x128xf32, #tpu.memory_space<hbm>>
        tpu.wait_dma2 semaphore(%arg16 : memref<!tpu.dma_semaphore, #tpu.memory_space<semaphore_mem>>) src(%arg9 : memref<160x128xf32, #tpu.memory_space<vmem>>) dst(%dma_wait3A_244 : memref<160x128xf32, #tpu.memory_space<hbm>>)
      } else {
      }
      %add3A_131 = arith.constant 3 : i32
      %add3A_132 = arith.addi %add3A_96, %add3A_131 : i32
      %mul3A_133 = arith.constant 32 : i32
      %mul3A_134 = arith.muli %add3A_132, %mul3A_133 : i32
      %add3A_135 = arith.addi %add3A, %mul3A_134 : i32
      %lt3A_136 = arith.constant 625 : i32
      %lt3A_137 = arith.cmpi slt, %add3A_135, %lt3A_136 : i32
      %convert_element_type3A_138 = arith.extui %lt3A_137 : i1 to i32
      %cond3A_139 = arith.constant 0 : i32
      %cond3A_140 = arith.cmpi ne, %convert_element_type3A_138, %cond3A_139 : i32
      scf.if %cond3A_140 {
        %mul3A_237 = arith.constant 32 : i32
        %mul3A_238 = arith.muli %add3A_132, %mul3A_237 : i32
        %add3A_239 = arith.addi %add3A, %mul3A_238 : i32
        %mul3A_240 = arith.constant 160 : i32
        %mul3A_241 = arith.muli %add3A_239, %mul3A_240 : i32
        %dma_start3A = arith.constant 0 : i32
        %dma_start3A_242 = tpu.memref_slice %arg2[%mul3A_241, %dma_start3A] : memref<100000x128xf32, #tpu.memory_space<hbm>> -> memref<160x128xf32, #tpu.memory_space<hbm>>
        %dma_start3A_243 = arith.constant 0 : i32
        %dma_start3A_244 = tpu.memref_slice %arg2[%mul3A_241, %dma_start3A_243] : memref<100000x128xf32, #tpu.memory_space<hbm>> -> memref<160x128xf32, #tpu.memory_space<hbm>>
        tpu.enqueue_dma source(%dma_start3A_244 : memref<160x128xf32, #tpu.memory_space<hbm>>) target(%arg9 : memref<160x128xf32, #tpu.memory_space<vmem>>) target_semaphore(%arg14 : memref<!tpu.dma_semaphore, #tpu.memory_space<semaphore_mem>>)
        %dma_start3A_245 = tpu.memref_slice %arg3[%mul3A_241] : memref<100000xi32, #tpu.memory_space<hbm>> -> memref<160xi32, #tpu.memory_space<hbm>>
        %dma_start3A_246 = tpu.memref_slice %arg3[%mul3A_241] : memref<100000xi32, #tpu.memory_space<hbm>> -> memref<160xi32, #tpu.memory_space<hbm>>
        tpu.enqueue_dma source(%dma_start3A_246 : memref<160xi32, #tpu.memory_space<hbm>>) target(%arg10 : memref<160xi32, #tpu.memory_space<vmem>>) target_semaphore(%arg14 : memref<!tpu.dma_semaphore, #tpu.memory_space<semaphore_mem>>)
        %dma_start3A_247 = tpu.memref_slice %arg4[%mul3A_241] : memref<100000xi32, #tpu.memory_space<hbm>> -> memref<160xi32, #tpu.memory_space<hbm>>
        %dma_start3A_248 = tpu.memref_slice %arg4[%mul3A_241] : memref<100000xi32, #tpu.memory_space<hbm>> -> memref<160xi32, #tpu.memory_space<hbm>>
        tpu.enqueue_dma source(%dma_start3A_248 : memref<160xi32, #tpu.memory_space<hbm>>) target(%arg11 : memref<160xi32, #tpu.memory_space<vmem>>) target_semaphore(%arg14 : memref<!tpu.dma_semaphore, #tpu.memory_space<semaphore_mem>>)
        %dma_start3A_249 = tpu.memref_slice %arg5[%mul3A_241] : memref<100000xf32, #tpu.memory_space<hbm>> -> memref<160xf32, #tpu.memory_space<hbm>>
        %dma_start3A_250 = tpu.memref_slice %arg5[%mul3A_241] : memref<100000xf32, #tpu.memory_space<hbm>> -> memref<160xf32, #tpu.memory_space<hbm>>
        tpu.enqueue_dma source(%dma_start3A_250 : memref<160xf32, #tpu.memory_space<hbm>>) target(%arg12 : memref<160xf32, #tpu.memory_space<vmem>>) target_semaphore(%arg14 : memref<!tpu.dma_semaphore, #tpu.memory_space<semaphore_mem>>)
      } else {
      }
      %mul3A_141 = arith.constant 4 : i32
      %mul3A_142 = arith.muli %scan3A_45, %mul3A_141 : i32
      %add3A_143 = arith.constant 2 : i32
      %add3A_144 = arith.addi %mul3A_142, %add3A_143 : i32
      %add3A_145 = arith.constant 1 : i32
      %add3A_146 = arith.addi %add3A_144, %add3A_145 : i32
      %mul3A_147 = arith.constant 32 : i32
      %mul3A_148 = arith.muli %add3A_146, %mul3A_147 : i32
      %add3A_149 = arith.addi %add3A, %mul3A_148 : i32
      %lt3A_150 = arith.constant 625 : i32
      %lt3A_151 = arith.cmpi slt, %add3A_149, %lt3A_150 : i32
      %convert_element_type3A_152 = arith.extui %lt3A_151 : i1 to i32
      %cond3A_153 = arith.constant 0 : i32
      %cond3A_154 = arith.cmpi ne, %convert_element_type3A_152, %cond3A_153 : i32
      scf.if %cond3A_154 {
        %mul3A_237 = arith.constant 32 : i32
        %mul3A_238 = arith.muli %add3A_146, %mul3A_237 : i32
        %add3A_239 = arith.addi %add3A, %mul3A_238 : i32
        %mul3A_240 = arith.constant 160 : i32
        %mul3A_241 = arith.muli %add3A_239, %mul3A_240 : i32
        %dma_wait3A = arith.constant 0 : i32
        %dma_wait3A_242 = tpu.memref_slice %arg2[%mul3A_241, %dma_wait3A] : memref<100000x128xf32, #tpu.memory_space<hbm>> -> memref<160x128xf32, #tpu.memory_space<hbm>>
        %dma_wait3A_243 = arith.constant 0 : i32
        %dma_wait3A_244 = tpu.memref_slice %arg2[%mul3A_241, %dma_wait3A_243] : memref<100000x128xf32, #tpu.memory_space<hbm>> -> memref<160x128xf32, #tpu.memory_space<hbm>>
        tpu.wait_dma2 semaphore(%arg38 : memref<!tpu.dma_semaphore, #tpu.memory_space<semaphore_mem>>) src(%dma_wait3A_244 : memref<160x128xf32, #tpu.memory_space<hbm>>) dst(%arg33 : memref<160x128xf32, #tpu.memory_space<vmem>>)
        %dma_wait3A_245 = tpu.memref_slice %arg3[%mul3A_241] : memref<100000xi32, #tpu.memory_space<hbm>> -> memref<160xi32, #tpu.memory_space<hbm>>
        %dma_wait3A_246 = tpu.memref_slice %arg3[%mul3A_241] : memref<100000xi32, #tpu.memory_space<hbm>> -> memref<160xi32, #tpu.memory_space<hbm>>
        tpu.wait_dma2 semaphore(%arg38 : memref<!tpu.dma_semaphore, #tpu.memory_space<semaphore_mem>>) src(%dma_wait3A_246 : memref<160xi32, #tpu.memory_space<hbm>>) dst(%arg34 : memref<160xi32, #tpu.memory_space<vmem>>)
        %dma_wait3A_247 = tpu.memref_slice %arg4[%mul3A_241] : memref<100000xi32, #tpu.memory_space<hbm>> -> memref<160xi32, #tpu.memory_space<hbm>>
        %dma_wait3A_248 = tpu.memref_slice %arg4[%mul3A_241] : memref<100000xi32, #tpu.memory_space<hbm>> -> memref<160xi32, #tpu.memory_space<hbm>>
        tpu.wait_dma2 semaphore(%arg38 : memref<!tpu.dma_semaphore, #tpu.memory_space<semaphore_mem>>) src(%dma_wait3A_248 : memref<160xi32, #tpu.memory_space<hbm>>) dst(%arg35 : memref<160xi32, #tpu.memory_space<vmem>>)
        %dma_wait3A_249 = tpu.memref_slice %arg5[%mul3A_241] : memref<100000xf32, #tpu.memory_space<hbm>> -> memref<160xf32, #tpu.memory_space<hbm>>
        %dma_wait3A_250 = tpu.memref_slice %arg5[%mul3A_241] : memref<100000xf32, #tpu.memory_space<hbm>> -> memref<160xf32, #tpu.memory_space<hbm>>
        tpu.wait_dma2 semaphore(%arg38 : memref<!tpu.dma_semaphore, #tpu.memory_space<semaphore_mem>>) src(%dma_wait3A_250 : memref<160xf32, #tpu.memory_space<hbm>>) dst(%arg36 : memref<160xf32, #tpu.memory_space<vmem>>)
        %parallel_loop3A = arith.constant 0 : i32
        %parallel_loop3A_251 = arith.constant 10 : i32
        %parallel_loop3A_252 = arith.constant 1 : i32
        scf.for %parallel_loop3A_268 = %parallel_loop3A to %parallel_loop3A_251 step %parallel_loop3A_252  : i32 {
          %parallel_loop3A_269 = arith.constant 16 : i32
          %parallel_loop3A_270 = arith.muli %parallel_loop3A_268, %parallel_loop3A_269 : i32
          %parallel_loop3A_271 = arith.index_cast %parallel_loop3A_270 : i32 to index
          %parallel_loop3A_272 = tpu.vector_load %arg35[%parallel_loop3A_271] {strides = array<i32>} : memref<160xi32, #tpu.memory_space<vmem>>, vector<16xi32>,
          %parallel_loop3A_273 = vector.shape_cast %parallel_loop3A_272 : vector<16xi32> to vector<16xi32>
          %parallel_loop3A_274 = arith.constant 0 : i32
          %parallel_loop3A_275 = vector.broadcast %parallel_loop3A_274 : i32 to vector<16xi32>
          %parallel_loop3A_276 = arith.cmpi ne, %parallel_loop3A_273, %parallel_loop3A_275 : vector<16xi32>
          %parallel_loop3A_277 = arith.index_cast %parallel_loop3A_270 : i32 to index
          %parallel_loop3A_278 = tpu.vector_load %arg36[%parallel_loop3A_277] {strides = array<i32>} : memref<160xf32, #tpu.memory_space<vmem>>, vector<16xf32>,
          %parallel_loop3A_279 = vector.shape_cast %parallel_loop3A_278 : vector<16xf32> to vector<16xf32>
          %parallel_loop3A_280 = arith.constant 0.699999988 : f32
          %parallel_loop3A_281 = vector.broadcast %parallel_loop3A_280 : f32 to vector<16xf32>
          %parallel_loop3A_282 = arith.cmpf oge, %parallel_loop3A_279, %parallel_loop3A_281 : vector<16xf32>
          %parallel_loop3A_283 = arith.andi %parallel_loop3A_276, %parallel_loop3A_282 : vector<16xi1>
          %parallel_loop3A_284 = arith.index_cast %parallel_loop3A_270 : i32 to index
          %parallel_loop3A_285 = tpu.vector_load %arg34[%parallel_loop3A_284] {strides = array<i32>} : memref<160xi32, #tpu.memory_space<vmem>>, vector<16xi32>,
          %parallel_loop3A_286 = vector.shape_cast %parallel_loop3A_285 : vector<16xi32> to vector<16xi32>
          %parallel_loop3A_287 = arith.constant 64 : i32
          %parallel_loop3A_288 = vector.broadcast %parallel_loop3A_287 : i32 to vector<16xi32>
          %parallel_loop3A_289 = arith.select %parallel_loop3A_283, %parallel_loop3A_286, %parallel_loop3A_288 : vector<16xi1>, vector<16xi32>
          %parallel_loop3A_290 = arith.index_cast %parallel_loop3A_270 : i32 to index
          %parallel_loop3A_291 = tpu.vector_load %arg37[%parallel_loop3A_290] {strides = array<i32>} : memref<160xi32, #tpu.memory_space<vmem>>, vector<16xi32>,
          %parallel_loop3A_292 = vector.shape_cast %parallel_loop3A_291 : vector<16xi32> to vector<16xi32>
          %parallel_loop3A_293 = vector.shape_cast %parallel_loop3A_289 : vector<16xi32> to vector<16xi32>
          tpu.vector_store %arg37[%parallel_loop3A_290], %parallel_loop3A_293 {strides = array<i32>} : memref<160xi32, #tpu.memory_space<vmem>>, vector<16xi32>,
        } {sc.loop_unroll_factor = 2 : i64, sc.parallel_access}
        %dma_start3A = arith.constant 0 : i32
        %dma_start3A_253 = arith.constant 0 : i32
        %dma_start3A_254 = tpu.memref_slice %arg33[%dma_start3A, %dma_start3A_253] : memref<160x128xf32, #tpu.memory_space<vmem>> -> memref<80x128xf32, #tpu.memory_space<vmem>>
        %dma_start3A_255 = arith.constant 0 : i32
        %dma_start3A_256 = tpu.memref_slice %arg37[%dma_start3A_255] : memref<160xi32, #tpu.memory_space<vmem>> -> memref<80xi32, #tpu.memory_space<vmem>>
        %dma_start3A_257 = arith.constant 0 : i32
        %dma_start3A_258 = arith.constant 0 : i32
        %dma_start3A_259 = tpu.memref_slice %arg8[%dma_start3A_257, %dma_start3A_258] : memref<65x128xf32, #tpu.memory_space<vmem_shared>> -> memref<65x128xf32, #tpu.memory_space<vmem_shared>>
        tpu.enqueue_indirect_dma source(%dma_start3A_259 : memref<65x128xf32, #tpu.memory_space<vmem_shared>>) target(%dma_start3A_254 : memref<80x128xf32, #tpu.memory_space<vmem>>) offsets(%dma_start3A_256 : memref<80xi32, #tpu.memory_space<vmem>>) semaphore(%arg39 : memref<!tpu.dma_semaphore, #tpu.memory_space<semaphore_mem>>) {add = true}
        %dma_start3A_260 = arith.constant 80 : i32
        %dma_start3A_261 = arith.constant 0 : i32
        %dma_start3A_262 = tpu.memref_slice %arg33[%dma_start3A_260, %dma_start3A_261] : memref<160x128xf32, #tpu.memory_space<vmem>> -> memref<80x128xf32, #tpu.memory_space<vmem>>
        %dma_start3A_263 = arith.constant 80 : i32
        %dma_start3A_264 = tpu.memref_slice %arg37[%dma_start3A_263] : memref<160xi32, #tpu.memory_space<vmem>> -> memref<80xi32, #tpu.memory_space<vmem>>
        %dma_start3A_265 = arith.constant 0 : i32
        %dma_start3A_266 = arith.constant 0 : i32
        %dma_start3A_267 = tpu.memref_slice %arg8[%dma_start3A_265, %dma_start3A_266] : memref<65x128xf32, #tpu.memory_space<vmem_shared>> -> memref<65x128xf32, #tpu.memory_space<vmem_shared>>
        tpu.enqueue_indirect_dma source(%dma_start3A_267 : memref<65x128xf32, #tpu.memory_space<vmem_shared>>) target(%dma_start3A_262 : memref<80x128xf32, #tpu.memory_space<vmem>>) offsets(%dma_start3A_264 : memref<80xi32, #tpu.memory_space<vmem>>) semaphore(%arg39 : memref<!tpu.dma_semaphore, #tpu.memory_space<semaphore_mem>>) {add = true}
      } else {
      }
      %mul3A_155 = arith.constant 32 : i32
      %mul3A_156 = arith.muli %add3A_144, %mul3A_155 : i32
      %add3A_157 = arith.addi %add3A, %mul3A_156 : i32
      %lt3A_158 = arith.constant 625 : i32
      %lt3A_159 = arith.cmpi slt, %add3A_157, %lt3A_158 : i32
      %convert_element_type3A_160 = arith.extui %lt3A_159 : i1 to i32
      %cond3A_161 = arith.constant 0 : i32
      %cond3A_162 = arith.cmpi ne, %convert_element_type3A_160, %cond3A_161 : i32
      scf.if %cond3A_162 {
        %dma_wait3A = arith.constant 0 : i32
        %dma_wait3A_237 = arith.constant 0 : i32
        %dma_wait3A_238 = tpu.memref_slice %arg25[%dma_wait3A, %dma_wait3A_237] : memref<160x128xf32, #tpu.memory_space<vmem>> -> memref<80x128xf32, #tpu.memory_space<vmem>>
        %dma_wait3A_239 = arith.constant 0 : i32
        %dma_wait3A_240 = tpu.memref_slice %arg29[%dma_wait3A_239] : memref<160xi32, #tpu.memory_space<vmem>> -> memref<80xi32, #tpu.memory_space<vmem>>
        %dma_wait3A_241 = arith.constant 0 : i32
        %dma_wait3A_242 = arith.constant 0 : i32
        %dma_wait3A_243 = tpu.memref_slice %arg8[%dma_wait3A_241, %dma_wait3A_242] : memref<65x128xf32, #tpu.memory_space<vmem_shared>> -> memref<65x128xf32, #tpu.memory_space<vmem_shared>>
        tpu.wait_indirect_dma semaphore(%arg31 : memref<!tpu.dma_semaphore, #tpu.memory_space<semaphore_mem>>) src(%dma_wait3A_243 : memref<65x128xf32, #tpu.memory_space<vmem_shared>>) dst(%dma_wait3A_238 : memref<80x128xf32, #tpu.memory_space<vmem>>)
        %dma_wait3A_244 = arith.constant 80 : i32
        %dma_wait3A_245 = arith.constant 0 : i32
        %dma_wait3A_246 = tpu.memref_slice %arg25[%dma_wait3A_244, %dma_wait3A_245] : memref<160x128xf32, #tpu.memory_space<vmem>> -> memref<80x128xf32, #tpu.memory_space<vmem>>
        %dma_wait3A_247 = arith.constant 80 : i32
        %dma_wait3A_248 = tpu.memref_slice %arg29[%dma_wait3A_247] : memref<160xi32, #tpu.memory_space<vmem>> -> memref<80xi32, #tpu.memory_space<vmem>>
        %dma_wait3A_249 = arith.constant 0 : i32
        %dma_wait3A_250 = arith.constant 0 : i32
        %dma_wait3A_251 = tpu.memref_slice %arg8[%dma_wait3A_249, %dma_wait3A_250] : memref<65x128xf32, #tpu.memory_space<vmem_shared>> -> memref<65x128xf32, #tpu.memory_space<vmem_shared>>
        tpu.wait_indirect_dma semaphore(%arg31 : memref<!tpu.dma_semaphore, #tpu.memory_space<semaphore_mem>>) src(%dma_wait3A_251 : memref<65x128xf32, #tpu.memory_space<vmem_shared>>) dst(%dma_wait3A_246 : memref<80x128xf32, #tpu.memory_space<vmem>>)
        %mul3A_252 = arith.constant 32 : i32
        %mul3A_253 = arith.muli %add3A_144, %mul3A_252 : i32
        %add3A_254 = arith.addi %add3A, %mul3A_253 : i32
        %mul3A_255 = arith.constant 160 : i32
        %mul3A_256 = arith.muli %add3A_254, %mul3A_255 : i32
        %dma_start3A = arith.constant 0 : i32
        %dma_start3A_257 = tpu.memref_slice %arg7[%mul3A_256, %dma_start3A] : memref<100000x128xf32, #tpu.memory_space<hbm>> -> memref<160x128xf32, #tpu.memory_space<hbm>>
        %dma_start3A_258 = arith.constant 0 : i32
        %dma_start3A_259 = tpu.memref_slice %arg7[%mul3A_256, %dma_start3A_258] : memref<100000x128xf32, #tpu.memory_space<hbm>> -> memref<160x128xf32, #tpu.memory_space<hbm>>
        tpu.enqueue_dma source(%arg25 : memref<160x128xf32, #tpu.memory_space<vmem>>) target(%dma_start3A_259 : memref<160x128xf32, #tpu.memory_space<hbm>>) target_semaphore(%arg32 : memref<!tpu.dma_semaphore, #tpu.memory_space<semaphore_mem>>)
      } else {
      }
      %sub3A_163 = arith.constant 1 : i32
      %sub3A_164 = arith.subi %add3A_144, %sub3A_163 : i32
      %mul3A_165 = arith.constant 32 : i32
      %mul3A_166 = arith.muli %sub3A_164, %mul3A_165 : i32
      %add3A_167 = arith.addi %add3A, %mul3A_166 : i32
      %ge3A_168 = arith.constant 0 : i32
      %ge3A_169 = arith.cmpi sge, %add3A_167, %ge3A_168 : i32
      %mul3A_170 = arith.constant 32 : i32
      %mul3A_171 = arith.muli %sub3A_164, %mul3A_170 : i32
      %add3A_172 = arith.addi %add3A, %mul3A_171 : i32
      %lt3A_173 = arith.constant 625 : i32
      %lt3A_174 = arith.cmpi slt, %add3A_172, %lt3A_173 : i32
      %and3A_175 = arith.andi %ge3A_169, %lt3A_174 : i1
      %convert_element_type3A_176 = arith.extui %and3A_175 : i1 to i32
      %cond3A_177 = arith.constant 0 : i32
      %cond3A_178 = arith.cmpi ne, %convert_element_type3A_176, %cond3A_177 : i32
      scf.if %cond3A_178 {
        %mul3A_237 = arith.constant 32 : i32
        %mul3A_238 = arith.muli %sub3A_164, %mul3A_237 : i32
        %add3A_239 = arith.addi %add3A, %mul3A_238 : i32
        %mul3A_240 = arith.constant 160 : i32
        %mul3A_241 = arith.muli %add3A_239, %mul3A_240 : i32
        %dma_wait3A = arith.constant 0 : i32
        %dma_wait3A_242 = tpu.memref_slice %arg7[%mul3A_241, %dma_wait3A] : memref<100000x128xf32, #tpu.memory_space<hbm>> -> memref<160x128xf32, #tpu.memory_space<hbm>>
        %dma_wait3A_243 = arith.constant 0 : i32
        %dma_wait3A_244 = tpu.memref_slice %arg7[%mul3A_241, %dma_wait3A_243] : memref<100000x128xf32, #tpu.memory_space<hbm>> -> memref<160x128xf32, #tpu.memory_space<hbm>>
        tpu.wait_dma2 semaphore(%arg24 : memref<!tpu.dma_semaphore, #tpu.memory_space<semaphore_mem>>) src(%arg17 : memref<160x128xf32, #tpu.memory_space<vmem>>) dst(%dma_wait3A_244 : memref<160x128xf32, #tpu.memory_space<hbm>>)
      } else {
      }
      %add3A_179 = arith.constant 3 : i32
      %add3A_180 = arith.addi %add3A_144, %add3A_179 : i32
      %mul3A_181 = arith.constant 32 : i32
      %mul3A_182 = arith.muli %add3A_180, %mul3A_181 : i32
      %add3A_183 = arith.addi %add3A, %mul3A_182 : i32
      %lt3A_184 = arith.constant 625 : i32
      %lt3A_185 = arith.cmpi slt, %add3A_183, %lt3A_184 : i32
      %convert_element_type3A_186 = arith.extui %lt3A_185 : i1 to i32
      %cond3A_187 = arith.constant 0 : i32
      %cond3A_188 = arith.cmpi ne, %convert_element_type3A_186, %cond3A_187 : i32
      scf.if %cond3A_188 {
        %mul3A_237 = arith.constant 32 : i32
        %mul3A_238 = arith.muli %add3A_180, %mul3A_237 : i32
        %add3A_239 = arith.addi %add3A, %mul3A_238 : i32
        %mul3A_240 = arith.constant 160 : i32
        %mul3A_241 = arith.muli %add3A_239, %mul3A_240 : i32
        %dma_start3A = arith.constant 0 : i32
        %dma_start3A_242 = tpu.memref_slice %arg2[%mul3A_241, %dma_start3A] : memref<100000x128xf32, #tpu.memory_space<hbm>> -> memref<160x128xf32, #tpu.memory_space<hbm>>
        %dma_start3A_243 = arith.constant 0 : i32
        %dma_start3A_244 = tpu.memref_slice %arg2[%mul3A_241, %dma_start3A_243] : memref<100000x128xf32, #tpu.memory_space<hbm>> -> memref<160x128xf32, #tpu.memory_space<hbm>>
        tpu.enqueue_dma source(%dma_start3A_244 : memref<160x128xf32, #tpu.memory_space<hbm>>) target(%arg17 : memref<160x128xf32, #tpu.memory_space<vmem>>) target_semaphore(%arg22 : memref<!tpu.dma_semaphore, #tpu.memory_space<semaphore_mem>>)
        %dma_start3A_245 = tpu.memref_slice %arg3[%mul3A_241] : memref<100000xi32, #tpu.memory_space<hbm>> -> memref<160xi32, #tpu.memory_space<hbm>>
        %dma_start3A_246 = tpu.memref_slice %arg3[%mul3A_241] : memref<100000xi32, #tpu.memory_space<hbm>> -> memref<160xi32, #tpu.memory_space<hbm>>
        tpu.enqueue_dma source(%dma_start3A_246 : memref<160xi32, #tpu.memory_space<hbm>>) target(%arg18 : memref<160xi32, #tpu.memory_space<vmem>>) target_semaphore(%arg22 : memref<!tpu.dma_semaphore, #tpu.memory_space<semaphore_mem>>)
        %dma_start3A_247 = tpu.memref_slice %arg4[%mul3A_241] : memref<100000xi32, #tpu.memory_space<hbm>> -> memref<160xi32, #tpu.memory_space<hbm>>
        %dma_start3A_248 = tpu.memref_slice %arg4[%mul3A_241] : memref<100000xi32, #tpu.memory_space<hbm>> -> memref<160xi32, #tpu.memory_space<hbm>>
        tpu.enqueue_dma source(%dma_start3A_248 : memref<160xi32, #tpu.memory_space<hbm>>) target(%arg19 : memref<160xi32, #tpu.memory_space<vmem>>) target_semaphore(%arg22 : memref<!tpu.dma_semaphore, #tpu.memory_space<semaphore_mem>>)
        %dma_start3A_249 = tpu.memref_slice %arg5[%mul3A_241] : memref<100000xf32, #tpu.memory_space<hbm>> -> memref<160xf32, #tpu.memory_space<hbm>>
        %dma_start3A_250 = tpu.memref_slice %arg5[%mul3A_241] : memref<100000xf32, #tpu.memory_space<hbm>> -> memref<160xf32, #tpu.memory_space<hbm>>
        tpu.enqueue_dma source(%dma_start3A_250 : memref<160xf32, #tpu.memory_space<hbm>>) target(%arg20 : memref<160xf32, #tpu.memory_space<vmem>>) target_semaphore(%arg22 : memref<!tpu.dma_semaphore, #tpu.memory_space<semaphore_mem>>)
      } else {
      }
      %mul3A_189 = arith.constant 4 : i32
      %mul3A_190 = arith.muli %scan3A_45, %mul3A_189 : i32
      %add3A_191 = arith.constant 3 : i32
      %add3A_192 = arith.addi %mul3A_190, %add3A_191 : i32
      %add3A_193 = arith.constant 1 : i32
      %add3A_194 = arith.addi %add3A_192, %add3A_193 : i32
      %mul3A_195 = arith.constant 32 : i32
      %mul3A_196 = arith.muli %add3A_194, %mul3A_195 : i32
      %add3A_197 = arith.addi %add3A, %mul3A_196 : i32
      %lt3A_198 = arith.constant 625 : i32
      %lt3A_199 = arith.cmpi slt, %add3A_197, %lt3A_198 : i32
      %convert_element_type3A_200 = arith.extui %lt3A_199 : i1 to i32
      %cond3A_201 = arith.constant 0 : i32
      %cond3A_202 = arith.cmpi ne, %convert_element_type3A_200, %cond3A_201 : i32
      scf.if %cond3A_202 {
        %mul3A_237 = arith.constant 32 : i32
        %mul3A_238 = arith.muli %add3A_194, %mul3A_237 : i32
        %add3A_239 = arith.addi %add3A, %mul3A_238 : i32
        %mul3A_240 = arith.constant 160 : i32
        %mul3A_241 = arith.muli %add3A_239, %mul3A_240 : i32
        %dma_wait3A = arith.constant 0 : i32
        %dma_wait3A_242 = tpu.memref_slice %arg2[%mul3A_241, %dma_wait3A] : memref<100000x128xf32, #tpu.memory_space<hbm>> -> memref<160x128xf32, #tpu.memory_space<hbm>>
        %dma_wait3A_243 = arith.constant 0 : i32
        %dma_wait3A_244 = tpu.memref_slice %arg2[%mul3A_241, %dma_wait3A_243] : memref<100000x128xf32, #tpu.memory_space<hbm>> -> memref<160x128xf32, #tpu.memory_space<hbm>>
        tpu.wait_dma2 semaphore(%arg14 : memref<!tpu.dma_semaphore, #tpu.memory_space<semaphore_mem>>) src(%dma_wait3A_244 : memref<160x128xf32, #tpu.memory_space<hbm>>) dst(%arg9 : memref<160x128xf32, #tpu.memory_space<vmem>>)
        %dma_wait3A_245 = tpu.memref_slice %arg3[%mul3A_241] : memref<100000xi32, #tpu.memory_space<hbm>> -> memref<160xi32, #tpu.memory_space<hbm>>
        %dma_wait3A_246 = tpu.memref_slice %arg3[%mul3A_241] : memref<100000xi32, #tpu.memory_space<hbm>> -> memref<160xi32, #tpu.memory_space<hbm>>
        tpu.wait_dma2 semaphore(%arg14 : memref<!tpu.dma_semaphore, #tpu.memory_space<semaphore_mem>>) src(%dma_wait3A_246 : memref<160xi32, #tpu.memory_space<hbm>>) dst(%arg10 : memref<160xi32, #tpu.memory_space<vmem>>)
        %dma_wait3A_247 = tpu.memref_slice %arg4[%mul3A_241] : memref<100000xi32, #tpu.memory_space<hbm>> -> memref<160xi32, #tpu.memory_space<hbm>>
        %dma_wait3A_248 = tpu.memref_slice %arg4[%mul3A_241] : memref<100000xi32, #tpu.memory_space<hbm>> -> memref<160xi32, #tpu.memory_space<hbm>>
        tpu.wait_dma2 semaphore(%arg14 : memref<!tpu.dma_semaphore, #tpu.memory_space<semaphore_mem>>) src(%dma_wait3A_248 : memref<160xi32, #tpu.memory_space<hbm>>) dst(%arg11 : memref<160xi32, #tpu.memory_space<vmem>>)
        %dma_wait3A_249 = tpu.memref_slice %arg5[%mul3A_241] : memref<100000xf32, #tpu.memory_space<hbm>> -> memref<160xf32, #tpu.memory_space<hbm>>
        %dma_wait3A_250 = tpu.memref_slice %arg5[%mul3A_241] : memref<100000xf32, #tpu.memory_space<hbm>> -> memref<160xf32, #tpu.memory_space<hbm>>
        tpu.wait_dma2 semaphore(%arg14 : memref<!tpu.dma_semaphore, #tpu.memory_space<semaphore_mem>>) src(%dma_wait3A_250 : memref<160xf32, #tpu.memory_space<hbm>>) dst(%arg12 : memref<160xf32, #tpu.memory_space<vmem>>)
        %parallel_loop3A = arith.constant 0 : i32
        %parallel_loop3A_251 = arith.constant 10 : i32
        %parallel_loop3A_252 = arith.constant 1 : i32
        scf.for %parallel_loop3A_268 = %parallel_loop3A to %parallel_loop3A_251 step %parallel_loop3A_252  : i32 {
          %parallel_loop3A_269 = arith.constant 16 : i32
          %parallel_loop3A_270 = arith.muli %parallel_loop3A_268, %parallel_loop3A_269 : i32
          %parallel_loop3A_271 = arith.index_cast %parallel_loop3A_270 : i32 to index
          %parallel_loop3A_272 = tpu.vector_load %arg11[%parallel_loop3A_271] {strides = array<i32>} : memref<160xi32, #tpu.memory_space<vmem>>, vector<16xi32>,
          %parallel_loop3A_273 = vector.shape_cast %parallel_loop3A_272 : vector<16xi32> to vector<16xi32>
          %parallel_loop3A_274 = arith.constant 0 : i32
          %parallel_loop3A_275 = vector.broadcast %parallel_loop3A_274 : i32 to vector<16xi32>
          %parallel_loop3A_276 = arith.cmpi ne, %parallel_loop3A_273, %parallel_loop3A_275 : vector<16xi32>
          %parallel_loop3A_277 = arith.index_cast %parallel_loop3A_270 : i32 to index
          %parallel_loop3A_278 = tpu.vector_load %arg12[%parallel_loop3A_277] {strides = array<i32>} : memref<160xf32, #tpu.memory_space<vmem>>, vector<16xf32>,
          %parallel_loop3A_279 = vector.shape_cast %parallel_loop3A_278 : vector<16xf32> to vector<16xf32>
          %parallel_loop3A_280 = arith.constant 0.699999988 : f32
          %parallel_loop3A_281 = vector.broadcast %parallel_loop3A_280 : f32 to vector<16xf32>
          %parallel_loop3A_282 = arith.cmpf oge, %parallel_loop3A_279, %parallel_loop3A_281 : vector<16xf32>
          %parallel_loop3A_283 = arith.andi %parallel_loop3A_276, %parallel_loop3A_282 : vector<16xi1>
          %parallel_loop3A_284 = arith.index_cast %parallel_loop3A_270 : i32 to index
          %parallel_loop3A_285 = tpu.vector_load %arg10[%parallel_loop3A_284] {strides = array<i32>} : memref<160xi32, #tpu.memory_space<vmem>>, vector<16xi32>,
          %parallel_loop3A_286 = vector.shape_cast %parallel_loop3A_285 : vector<16xi32> to vector<16xi32>
          %parallel_loop3A_287 = arith.constant 64 : i32
          %parallel_loop3A_288 = vector.broadcast %parallel_loop3A_287 : i32 to vector<16xi32>
          %parallel_loop3A_289 = arith.select %parallel_loop3A_283, %parallel_loop3A_286, %parallel_loop3A_288 : vector<16xi1>, vector<16xi32>
          %parallel_loop3A_290 = arith.index_cast %parallel_loop3A_270 : i32 to index
          %parallel_loop3A_291 = tpu.vector_load %arg13[%parallel_loop3A_290] {strides = array<i32>} : memref<160xi32, #tpu.memory_space<vmem>>, vector<16xi32>,
          %parallel_loop3A_292 = vector.shape_cast %parallel_loop3A_291 : vector<16xi32> to vector<16xi32>
          %parallel_loop3A_293 = vector.shape_cast %parallel_loop3A_289 : vector<16xi32> to vector<16xi32>
          tpu.vector_store %arg13[%parallel_loop3A_290], %parallel_loop3A_293 {strides = array<i32>} : memref<160xi32, #tpu.memory_space<vmem>>, vector<16xi32>,
        } {sc.loop_unroll_factor = 2 : i64, sc.parallel_access}
        %dma_start3A = arith.constant 0 : i32
        %dma_start3A_253 = arith.constant 0 : i32
        %dma_start3A_254 = tpu.memref_slice %arg9[%dma_start3A, %dma_start3A_253] : memref<160x128xf32, #tpu.memory_space<vmem>> -> memref<80x128xf32, #tpu.memory_space<vmem>>
        %dma_start3A_255 = arith.constant 0 : i32
        %dma_start3A_256 = tpu.memref_slice %arg13[%dma_start3A_255] : memref<160xi32, #tpu.memory_space<vmem>> -> memref<80xi32, #tpu.memory_space<vmem>>
        %dma_start3A_257 = arith.constant 0 : i32
        %dma_start3A_258 = arith.constant 0 : i32
        %dma_start3A_259 = tpu.memref_slice %arg8[%dma_start3A_257, %dma_start3A_258] : memref<65x128xf32, #tpu.memory_space<vmem_shared>> -> memref<65x128xf32, #tpu.memory_space<vmem_shared>>
        tpu.enqueue_indirect_dma source(%dma_start3A_259 : memref<65x128xf32, #tpu.memory_space<vmem_shared>>) target(%dma_start3A_254 : memref<80x128xf32, #tpu.memory_space<vmem>>) offsets(%dma_start3A_256 : memref<80xi32, #tpu.memory_space<vmem>>) semaphore(%arg15 : memref<!tpu.dma_semaphore, #tpu.memory_space<semaphore_mem>>) {add = true}
        %dma_start3A_260 = arith.constant 80 : i32
        %dma_start3A_261 = arith.constant 0 : i32
        %dma_start3A_262 = tpu.memref_slice %arg9[%dma_start3A_260, %dma_start3A_261] : memref<160x128xf32, #tpu.memory_space<vmem>> -> memref<80x128xf32, #tpu.memory_space<vmem>>
        %dma_start3A_263 = arith.constant 80 : i32
        %dma_start3A_264 = tpu.memref_slice %arg13[%dma_start3A_263] : memref<160xi32, #tpu.memory_space<vmem>> -> memref<80xi32, #tpu.memory_space<vmem>>
        %dma_start3A_265 = arith.constant 0 : i32
        %dma_start3A_266 = arith.constant 0 : i32
        %dma_start3A_267 = tpu.memref_slice %arg8[%dma_start3A_265, %dma_start3A_266] : memref<65x128xf32, #tpu.memory_space<vmem_shared>> -> memref<65x128xf32, #tpu.memory_space<vmem_shared>>
        tpu.enqueue_indirect_dma source(%dma_start3A_267 : memref<65x128xf32, #tpu.memory_space<vmem_shared>>) target(%dma_start3A_262 : memref<80x128xf32, #tpu.memory_space<vmem>>) offsets(%dma_start3A_264 : memref<80xi32, #tpu.memory_space<vmem>>) semaphore(%arg15 : memref<!tpu.dma_semaphore, #tpu.memory_space<semaphore_mem>>) {add = true}
      } else {
      }
      %mul3A_203 = arith.constant 32 : i32
      %mul3A_204 = arith.muli %add3A_192, %mul3A_203 : i32
      %add3A_205 = arith.addi %add3A, %mul3A_204 : i32
      %lt3A_206 = arith.constant 625 : i32
      %lt3A_207 = arith.cmpi slt, %add3A_205, %lt3A_206 : i32
      %convert_element_type3A_208 = arith.extui %lt3A_207 : i1 to i32
      %cond3A_209 = arith.constant 0 : i32
      %cond3A_210 = arith.cmpi ne, %convert_element_type3A_208, %cond3A_209 : i32
      scf.if %cond3A_210 {
        %dma_wait3A = arith.constant 0 : i32
        %dma_wait3A_237 = arith.constant 0 : i32
        %dma_wait3A_238 = tpu.memref_slice %arg33[%dma_wait3A, %dma_wait3A_237] : memref<160x128xf32, #tpu.memory_space<vmem>> -> memref<80x128xf32, #tpu.memory_space<vmem>>
        %dma_wait3A_239 = arith.constant 0 : i32
        %dma_wait3A_240 = tpu.memref_slice %arg37[%dma_wait3A_239] : memref<160xi32, #tpu.memory_space<vmem>> -> memref<80xi32, #tpu.memory_space<vmem>>
        %dma_wait3A_241 = arith.constant 0 : i32
        %dma_wait3A_242 = arith.constant 0 : i32
        %dma_wait3A_243 = tpu.memref_slice %arg8[%dma_wait3A_241, %dma_wait3A_242] : memref<65x128xf32, #tpu.memory_space<vmem_shared>> -> memref<65x128xf32, #tpu.memory_space<vmem_shared>>
        tpu.wait_indirect_dma semaphore(%arg39 : memref<!tpu.dma_semaphore, #tpu.memory_space<semaphore_mem>>) src(%dma_wait3A_243 : memref<65x128xf32, #tpu.memory_space<vmem_shared>>) dst(%dma_wait3A_238 : memref<80x128xf32, #tpu.memory_space<vmem>>)
        %dma_wait3A_244 = arith.constant 80 : i32
        %dma_wait3A_245 = arith.constant 0 : i32
        %dma_wait3A_246 = tpu.memref_slice %arg33[%dma_wait3A_244, %dma_wait3A_245] : memref<160x128xf32, #tpu.memory_space<vmem>> -> memref<80x128xf32, #tpu.memory_space<vmem>>
        %dma_wait3A_247 = arith.constant 80 : i32
        %dma_wait3A_248 = tpu.memref_slice %arg37[%dma_wait3A_247] : memref<160xi32, #tpu.memory_space<vmem>> -> memref<80xi32, #tpu.memory_space<vmem>>
        %dma_wait3A_249 = arith.constant 0 : i32
        %dma_wait3A_250 = arith.constant 0 : i32
        %dma_wait3A_251 = tpu.memref_slice %arg8[%dma_wait3A_249, %dma_wait3A_250] : memref<65x128xf32, #tpu.memory_space<vmem_shared>> -> memref<65x128xf32, #tpu.memory_space<vmem_shared>>
        tpu.wait_indirect_dma semaphore(%arg39 : memref<!tpu.dma_semaphore, #tpu.memory_space<semaphore_mem>>) src(%dma_wait3A_251 : memref<65x128xf32, #tpu.memory_space<vmem_shared>>) dst(%dma_wait3A_246 : memref<80x128xf32, #tpu.memory_space<vmem>>)
        %mul3A_252 = arith.constant 32 : i32
        %mul3A_253 = arith.muli %add3A_192, %mul3A_252 : i32
        %add3A_254 = arith.addi %add3A, %mul3A_253 : i32
        %mul3A_255 = arith.constant 160 : i32
        %mul3A_256 = arith.muli %add3A_254, %mul3A_255 : i32
        %dma_start3A = arith.constant 0 : i32
        %dma_start3A_257 = tpu.memref_slice %arg7[%mul3A_256, %dma_start3A] : memref<100000x128xf32, #tpu.memory_space<hbm>> -> memref<160x128xf32, #tpu.memory_space<hbm>>
        %dma_start3A_258 = arith.constant 0 : i32
        %dma_start3A_259 = tpu.memref_slice %arg7[%mul3A_256, %dma_start3A_258] : memref<100000x128xf32, #tpu.memory_space<hbm>> -> memref<160x128xf32, #tpu.memory_space<hbm>>
        tpu.enqueue_dma source(%arg33 : memref<160x128xf32, #tpu.memory_space<vmem>>) target(%dma_start3A_259 : memref<160x128xf32, #tpu.memory_space<hbm>>) target_semaphore(%arg40 : memref<!tpu.dma_semaphore, #tpu.memory_space<semaphore_mem>>)
      } else {
      }
      %sub3A_211 = arith.constant 1 : i32
      %sub3A_212 = arith.subi %add3A_192, %sub3A_211 : i32
      %mul3A_213 = arith.constant 32 : i32
      %mul3A_214 = arith.muli %sub3A_212, %mul3A_213 : i32
      %add3A_215 = arith.addi %add3A, %mul3A_214 : i32
      %ge3A_216 = arith.constant 0 : i32
      %ge3A_217 = arith.cmpi sge, %add3A_215, %ge3A_216 : i32
      %mul3A_218 = arith.constant 32 : i32
      %mul3A_219 = arith.muli %sub3A_212, %mul3A_218 : i32
      %add3A_220 = arith.addi %add3A, %mul3A_219 : i32
      %lt3A_221 = arith.constant 625 : i32
      %lt3A_222 = arith.cmpi slt, %add3A_220, %lt3A_221 : i32
      %and3A_223 = arith.andi %ge3A_217, %lt3A_222 : i1
      %convert_element_type3A_224 = arith.extui %and3A_223 : i1 to i32
      %cond3A_225 = arith.constant 0 : i32
      %cond3A_226 = arith.cmpi ne, %convert_element_type3A_224, %cond3A_225 : i32
      scf.if %cond3A_226 {
        %mul3A_237 = arith.constant 32 : i32
        %mul3A_238 = arith.muli %sub3A_212, %mul3A_237 : i32
        %add3A_239 = arith.addi %add3A, %mul3A_238 : i32
        %mul3A_240 = arith.constant 160 : i32
        %mul3A_241 = arith.muli %add3A_239, %mul3A_240 : i32
        %dma_wait3A = arith.constant 0 : i32
        %dma_wait3A_242 = tpu.memref_slice %arg7[%mul3A_241, %dma_wait3A] : memref<100000x128xf32, #tpu.memory_space<hbm>> -> memref<160x128xf32, #tpu.memory_space<hbm>>
        %dma_wait3A_243 = arith.constant 0 : i32
        %dma_wait3A_244 = tpu.memref_slice %arg7[%mul3A_241, %dma_wait3A_243] : memref<100000x128xf32, #tpu.memory_space<hbm>> -> memref<160x128xf32, #tpu.memory_space<hbm>>
        tpu.wait_dma2 semaphore(%arg32 : memref<!tpu.dma_semaphore, #tpu.memory_space<semaphore_mem>>) src(%arg25 : memref<160x128xf32, #tpu.memory_space<vmem>>) dst(%dma_wait3A_244 : memref<160x128xf32, #tpu.memory_space<hbm>>)
      } else {
      }
      %add3A_227 = arith.constant 3 : i32
      %add3A_228 = arith.addi %add3A_192, %add3A_227 : i32
      %mul3A_229 = arith.constant 32 : i32
      %mul3A_230 = arith.muli %add3A_228, %mul3A_229 : i32
      %add3A_231 = arith.addi %add3A, %mul3A_230 : i32
      %lt3A_232 = arith.constant 625 : i32
      %lt3A_233 = arith.cmpi slt, %add3A_231, %lt3A_232 : i32
      %convert_element_type3A_234 = arith.extui %lt3A_233 : i1 to i32
      %cond3A_235 = arith.constant 0 : i32
      %cond3A_236 = arith.cmpi ne, %convert_element_type3A_234, %cond3A_235 : i32
      scf.if %cond3A_236 {
        %mul3A_237 = arith.constant 32 : i32
        %mul3A_238 = arith.muli %add3A_228, %mul3A_237 : i32
        %add3A_239 = arith.addi %add3A, %mul3A_238 : i32
        %mul3A_240 = arith.constant 160 : i32
        %mul3A_241 = arith.muli %add3A_239, %mul3A_240 : i32
        %dma_start3A = arith.constant 0 : i32
        %dma_start3A_242 = tpu.memref_slice %arg2[%mul3A_241, %dma_start3A] : memref<100000x128xf32, #tpu.memory_space<hbm>> -> memref<160x128xf32, #tpu.memory_space<hbm>>
        %dma_start3A_243 = arith.constant 0 : i32
        %dma_start3A_244 = tpu.memref_slice %arg2[%mul3A_241, %dma_start3A_243] : memref<100000x128xf32, #tpu.memory_space<hbm>> -> memref<160x128xf32, #tpu.memory_space<hbm>>
        tpu.enqueue_dma source(%dma_start3A_244 : memref<160x128xf32, #tpu.memory_space<hbm>>) target(%arg25 : memref<160x128xf32, #tpu.memory_space<vmem>>) target_semaphore(%arg30 : memref<!tpu.dma_semaphore, #tpu.memory_space<semaphore_mem>>)
        %dma_start3A_245 = tpu.memref_slice %arg3[%mul3A_241] : memref<100000xi32, #tpu.memory_space<hbm>> -> memref<160xi32, #tpu.memory_space<hbm>>
        %dma_start3A_246 = tpu.memref_slice %arg3[%mul3A_241] : memref<100000xi32, #tpu.memory_space<hbm>> -> memref<160xi32, #tpu.memory_space<hbm>>
        tpu.enqueue_dma source(%dma_start3A_246 : memref<160xi32, #tpu.memory_space<hbm>>) target(%arg26 : memref<160xi32, #tpu.memory_space<vmem>>) target_semaphore(%arg30 : memref<!tpu.dma_semaphore, #tpu.memory_space<semaphore_mem>>)
        %dma_start3A_247 = tpu.memref_slice %arg4[%mul3A_241] : memref<100000xi32, #tpu.memory_space<hbm>> -> memref<160xi32, #tpu.memory_space<hbm>>
        %dma_start3A_248 = tpu.memref_slice %arg4[%mul3A_241] : memref<100000xi32, #tpu.memory_space<hbm>> -> memref<160xi32, #tpu.memory_space<hbm>>
        tpu.enqueue_dma source(%dma_start3A_248 : memref<160xi32, #tpu.memory_space<hbm>>) target(%arg27 : memref<160xi32, #tpu.memory_space<vmem>>) target_semaphore(%arg30 : memref<!tpu.dma_semaphore, #tpu.memory_space<semaphore_mem>>)
        %dma_start3A_249 = tpu.memref_slice %arg5[%mul3A_241] : memref<100000xf32, #tpu.memory_space<hbm>> -> memref<160xf32, #tpu.memory_space<hbm>>
        %dma_start3A_250 = tpu.memref_slice %arg5[%mul3A_241] : memref<100000xf32, #tpu.memory_space<hbm>> -> memref<160xf32, #tpu.memory_space<hbm>>
        tpu.enqueue_dma source(%dma_start3A_250 : memref<160xf32, #tpu.memory_space<hbm>>) target(%arg28 : memref<160xf32, #tpu.memory_space<vmem>>) target_semaphore(%arg30 : memref<!tpu.dma_semaphore, #tpu.memory_space<semaphore_mem>>)
      } else {
      }
    }
    %scan3A_34 = arith.constant 5 : i32
    %add3A_35 = arith.constant 608 : i32
    %add3A_36 = arith.addi %add3A, %add3A_35 : i32
    %ge3A = arith.constant 0 : i32
    %ge3A_37 = arith.cmpi sge, %add3A_36, %ge3A : i32
    %add3A_38 = arith.constant 608 : i32
    %add3A_39 = arith.addi %add3A, %add3A_38 : i32
    %lt3A_40 = arith.constant 625 : i32
    %lt3A_41 = arith.cmpi slt, %add3A_39, %lt3A_40 : i32
    %and3A = arith.andi %ge3A_37, %lt3A_41 : i1
    %convert_element_type3A_42 = arith.extui %and3A : i1 to i32
    %cond3A_43 = arith.constant 0 : i32
    %cond3A_44 = arith.cmpi ne, %convert_element_type3A_42, %cond3A_43 : i32
    scf.if %cond3A_44 {
      %add3A_45 = arith.constant 608 : i32
      %add3A_46 = arith.addi %add3A, %add3A_45 : i32
      %mul3A_47 = arith.constant 160 : i32
      %mul3A_48 = arith.muli %add3A_46, %mul3A_47 : i32
      %dma_wait3A = arith.constant 0 : i32
      %dma_wait3A_49 = tpu.memref_slice %arg7[%mul3A_48, %dma_wait3A] : memref<100000x128xf32, #tpu.memory_space<hbm>> -> memref<160x128xf32, #tpu.memory_space<hbm>>
      %dma_wait3A_50 = arith.constant 0 : i32
      %dma_wait3A_51 = tpu.memref_slice %arg7[%mul3A_48, %dma_wait3A_50] : memref<100000x128xf32, #tpu.memory_space<hbm>> -> memref<160x128xf32, #tpu.memory_space<hbm>>
      tpu.wait_dma2 semaphore(%arg40 : memref<!tpu.dma_semaphore, #tpu.memory_space<semaphore_mem>>) src(%arg33 : memref<160x128xf32, #tpu.memory_space<vmem>>) dst(%dma_wait3A_51 : memref<160x128xf32, #tpu.memory_space<hbm>>)
    } else {
    }
    return
  }
}

</mosaic_0001>

<sc_bundles>
// kernel: kernel.3.cloned.1.call-start
scs
__scs_entry_jumppad:
0x0: {  	(pc) =	sbr.rel $0x88, $3  }
0x1: {  	(tag) =	ssettag $0x0;
	lr =	simm.s32 $0x1  }
0x2: {  	[smem:$0x3F9B] =	sst lr;
	_ =	strace $0xD0000000  }
0x3: {  	_ = 	snop  }
0x4: {  	_ = 	snop  }
0x5: {  	_ = 	snop  }
0x6: {  	_ = 	snop  }
0x7: {  	_ = 	snop  }
__scs_overlays_trampoline_lowered:
0x8: {  	[smem:$0x3FAA] =	sst s0  }
0x9: {  	[smem:$0x3FAB] =	sst s1  }
0xa: {  	[smem:$0x3FAC] =	sst s2  }
0xb: {  	[smem:$0x3FAD] =	sst s3  }
0xc: {  	[smem:$0x3FAE] =	sst s4  }
0xd: {  	[smem:$0x3FAF] =	sst s5  }
0xe: {  	[smem:$0x3FB0] =	sst s6  }
0xf: {  	[smem:$0x3FB1] =	sst s7  }
0x10: {  	[smem:$0x3FB2] =	sst s8  }
0x11: {  	[smem:$0x3FB3] =	sst s9;
	s0 =	simm.s32 @!p0 $0x0  }
0x12: {  	s1 =	sld [smem:$0x3F99];
	s0 =	simm.s32 @p0 $0x1  }
0x13: {  	[smem:$0x3FB4] =	sst s0;
	s0 =	simm.s32 @!p1 $0x0  }
0x14: {  	s2 =	sld [smem:$0x3F98];
	s0 =	simm.s32 @p1 $0x1  }
0x15: {  	[smem:$0x3FB5] =	sst s0;
	s0 =	simm.s32 @!p2 $0x0  }
0x16: {  	s3 =	sld [smem:$0x3FDB];
	s0 =	simm.s32 @p2 $0x1  }
0x17: {  	s4 =	simm.s32 $0x1BF5;
	[smem:$0x3FB7] =	sst s0  }
0x18: {  	s0 =	sld [smem:$0x3F9A];
	_ =	swait.ge [sflag:s4], $0x0  }
0x19: {  	s7 =	sld [smem:$0x3F9B]  }
0x1a: {  	s8 =	sadd.s32 $0xFFFFE003, lr  }
0x1b: {  	s9 =	sadd.s32 $0xFFFFFEF7, lr;
	s5 =	simm.s32 $0xFFFFFFFF;
	p2 =	slt.u32 s8, $0xFFFFF086  }
0x1c: {  	p1 =	slt.u32 s9, $0xF7A;
	s5 =	simm.s32 @!p2 $0x0  }
0x1d: {  	s5 =	simm.s32 @p1 $0x1;
	p0 =	seq.s32 s7, s2  }
0x1e: {  	s7 =	smul.u32 @!p0 $0xF7A, s2;
	p2 =	seq.s32 @!p0 s5, $0x0  }
0x1f: {  	s9 =	smul.u32 $0xF7A, s1;
	s8 =	simm.s32 @!p0 $0x1BF5;
	p2 =	por !p2, p0  }
0x20: {  	[sflag:s8] =	ssyncset.s32 @!p0 $0xFFFFF086;
	s6 =	sadd.s32 @!p0 s3, s7;
	s7 =	simm.s32 @!p0 $0x108  }
0x21: {  	s3 =	sadd.s32 s3, s9;
	s6 =	sadd.s32 @!p0 $0x88, s6;
	s7 =	simm.s32 @p2 $0x1082  }
0x22: {  	[simem:s7], [sflag:s8] =	dma.local @!p0 [hbm:s6], $0xF7A  }
0x23: {  	s9 =	sor.u32 $0xD0000000, s2;
	s6 =	simm.s32 $0x108;
	_ =	swait.ge @!p0 [sflag:s8], $0x0  }
0x24: {  	s3 =	sadd.s32 $0x88, s3;
	s6 =	simm.s32 @!p1 $0x1082;
	[sflag:s4] =	ssyncset.s32 $0xFFFFF086  }
0x25: {  	[simem:s6], [sflag:s4] =	dma.local [hbm:s3], $0xF7A  }
0x26: {  	[smem:$0x3F9B] =	sst s1;
	(tag) =	ssettag s2;
	_ =	strace s9  }
0x27: {  	s1 =	sld [smem:$0x3FAB]  }
0x28: {  	s2 =	sld [smem:$0x3FAC]  }
0x29: {  	s4 =	sld [smem:$0x3FAE]  }
0x2a: {  	p0 =	seq.s32 s5, $0x0;
	s5 =	sld [smem:$0x3FAF]  }
0x2b: {  	s6 =	sld [smem:$0x3FB0]  }
0x2c: {  	s7 =	sld [smem:$0x3FB1]  }
0x2d: {  	s3 =	simm.s32 $0x108;
	s8 =	sld [smem:$0x3FB2]  }
0x2e: {  	s3 =	simm.s32 @!p0 $0x1082;
	s9 =	sld [smem:$0x3FB3]  }
0x2f: {  	lr =	sadd.s32 s0, s3;
	s0 =	sld [smem:$0x3FAA]  }
0x30: {  	s3 =	sld [smem:$0x3FAD]  }
0x31: {  	[smem:$0x3FB6] =	sst s10  }
0x32: {  	s10 =	sld [smem:$0x3FB4];
	_ =	sdelay $0x3  }
0x33: {  	p0 =	seq.s32 s10, $0x1;
	s10 =	sld [smem:$0x3FB6];
	_ =	sdelay $0x3  }
0x34: {  	[smem:$0x3FB6] =	sst s10  }
0x35: {  	s10 =	sld [smem:$0x3FB5];
	_ =	sdelay $0x3  }
0x36: {  	p1 =	seq.s32 s10, $0x1;
	s10 =	sld [smem:$0x3FB6];
	_ =	sdelay $0x3  }
0x37: {  	[smem:$0x3FB6] =	sst s10  }
0x38: {  	s10 =	sld [smem:$0x3FB7]  }
0x39: {  	_ = 	snop;
	(pc) =	sbr.ind lr, $3  }
0x3a: {  	_ = 	snop  }
0x3b: {  	_ = 	snop  }
0x3c: {  	p2 =	seq.s32 s10, $0x1;
	s10 =	sld [smem:$0x3FB6]  }
0x3d: {  	_ =	shalt  }
0x3e: {  	_ =	shalt  }
0x3f: {  	_ =	shalt  }
0x40: {  	_ =	shalt  }
0x41: {  	_ =	shalt  }
0x42: {  	_ =	shalt  }
0x43: {  	_ =	shalt  }
0x44: {  	_ =	shalt  }
0x45: {  	_ =	shalt  }
0x46: {  	_ =	shalt  }
0x47: {  	_ =	shalt  }
0x48: {  	_ =	shalt  }
0x49: {  	_ =	shalt  }
0x4a: {  	_ =	shalt  }
0x4b: {  	_ =	shalt  }
0x4c: {  	_ =	shalt  }
0x4d: {  	_ =	shalt  }
0x4e: {  	_ =	shalt  }
0x4f: {  	_ =	shalt  }
0x50: {  	_ =	shalt  }
0x51: {  	_ =	shalt  }
0x52: {  	_ =	shalt  }
0x53: {  	_ =	shalt  }
0x54: {  	_ =	shalt  }
0x55: {  	_ =	shalt  }
0x56: {  	_ =	shalt  }
0x57: {  	_ =	shalt  }
0x58: {  	_ =	shalt  }
0x59: {  	_ =	shalt  }
0x5a: {  	_ =	shalt  }
0x5b: {  	_ =	shalt  }
0x5c: {  	_ =	shalt  }
0x5d: {  	_ =	shalt  }
0x5e: {  	_ =	shalt  }
0x5f: {  	_ =	shalt  }
0x60: {  	_ =	shalt  }
0x61: {  	_ =	shalt  }
0x62: {  	_ =	shalt  }
0x63: {  	_ =	shalt  }
0x64: {  	_ =	shalt  }
0x65: {  	_ =	shalt  }
0x66: {  	_ =	shalt  }
0x67: {  	_ =	shalt  }
0x68: {  	_ =	shalt  }
0x69: {  	_ =	shalt  }
0x6a: {  	_ =	shalt  }
0x6b: {  	_ =	shalt  }
0x6c: {  	_ =	shalt  }
0x6d: {  	_ =	shalt  }
0x6e: {  	_ =	shalt  }
0x6f: {  	_ =	shalt  }
0x70: {  	_ =	shalt  }
0x71: {  	_ =	shalt  }
0x72: {  	_ =	shalt  }
0x73: {  	_ =	shalt  }
0x74: {  	_ =	shalt  }
0x75: {  	_ =	shalt  }
0x76: {  	_ =	shalt  }
0x77: {  	_ =	shalt  }
0x78: {  	_ =	shalt  }
0x79: {  	_ =	shalt  }
0x7a: {  	_ =	shalt  }
0x7b: {  	_ =	shalt  }
0x7c: {  	_ =	shalt  }
0x7d: {  	_ =	shalt  }
0x7e: {  	_ =	shalt  }
0x7f: {  	_ =	shalt  }
0x80: {  	_ =	shalt  }
0x81: {  	_ =	shalt  }
0x82: {  	_ =	shalt  }
0x83: {  	_ =	shalt  }
0x84: {  	_ =	shalt  }
0x85: {  	_ =	shalt  }
0x86: {  	_ =	shalt  }
0x87: {  	_ =	shalt  }
.Lfunc_end0:
.L_simem_size_0:
called_computation_lowered:
.L_overlay_start_0:
0x88: {  	s2 =	sld [smem:$0x3FD9]  }
0x89: {  	s3 =	sld [smem:$0x3FFE];
	_ =	sdelay $0x1  }
0x8a: {  	s1 =	srdreg.scid  }
0x8b: {  	s0 =	sand.u32 $0x1, s1  }
0x8c: {  	s17 =	sshll.u32 s0, $0xA;
	s2 =	sadd.s32 s3, s2  }
0x8d: {  	s2 =	sadd.s32 s2, s17  }
0x8e: {  	[smem:$0x3FC2] =	sst s2  }
0x8f: {  	_ = 	snop  }
0x90: {  	s2 =	sld [smem:$0x3FC9]  }
0x91: {  	s18 =	sld [smem:$0x3FC8]  }
0x92: {  	s4 =	sld [smem:$0x3FC6]  }
0x93: {  	s5 =	sld [smem:$0x3FD0];
	(tm) =	ssettm $0x1  }
0x94: {  	s6 =	sld [smem:$0x3FFB];
	_ =	sdelay $0x3  }
0x95: {  	_ =	strace s6  }
0x96: {  	s6 =	sld [smem:$0x3FFC];
	_ =	sdelay $0x3  }
0x97: {  	_ =	strace s6  }
0x98: {  	s6 =	sld [smem:$0x3FFD];
	_ =	sdelay $0x3  }
0x99: {  	_ =	strace s6  }
0x9a: {  	_ =	strace $0x8FFFFFFF  }
0x9b: {  	s19 =	sld [smem:$0x3FDB];
	_ =	sdelay $0x1  }
0x9c: {  	s7 =	simm.s32 $_scs_section_size  }
0x9d: {  	s8 =	simm.s32 $_size__tile_overlayer_lowered;
	s9 =	simm.s32 $_tile_overlayer_lowered  }
0x9e: {  	s22 =	simm.s32 $0x1BFF;
	s21 =	sshll.u32 s9, $0x1;
	s6 =	sadd.s32 s7, s19  }
0x9f: {  	s10 =	simm.s32 $0x0;
	s20 =	sshll.u32 s8, $0x1;
	s8 =	sadd.s32 s21, s6  }
0xa0: {  	[timem:s10], [sflag:s22] =	dma.local [hbm:s8], s20  }
0xa1: {  	_ =	swait.ge [sflag:s22], s20  }
0xa2: {  	s7 =	ssub.s32 $0x0, s20;
	[sflag:s22] =	ssyncset.done $0x0  }
0xa3: {  	[sflag:s22] =	ssyncadd.s32 s7;
	_ =	sdelay $0x1  }
0xa4: {  	s23 =	simm.s32 $0x1B8B  }
0xa5: {  	_ =	swait.ge [sflag:s23], $0x1  }
0xa6: {  	[sflag:s23] =	ssyncset.done $0x0  }
0xa7: {  	s25 =	simm.s32 $0x1B8E;
	s24 =	sld [smem:$0x3FFE];
	[sflag:s23] =	ssyncadd.s32 $0xFFFFFFFF  }
0xa8: {  	s26 =	simm.s32 $execute0_lowered;
	[smem:$0x3FD2] =	sst s25  }
0xa9: {  	s8 =	sshll.u32 s26, $0x1;
	_ =	strace $0x80000046;
	[dreg:$0x1] =	wrdreg $0xFFFFFFFF  }
0xaa: {  	s28 =	simm.s32 $_size_execute0_lowered;
	s6 =	sadd.s32 s6, s8;
	[dreg:$0x0] =	wrdreg $0x0  }
0xab: {  	s8 =	sshll.u32 s28, $0x1;
	[dreg:$0x2] =	wrdreg s6  }
0xac: {  	[dreg:$0x3] =	wrdreg s8  }
0xad: {  	[dreg:$0x4] =	wrdreg $0xC0  }
0xae: {  	_ =	task [dreg:s10], $0x5FFFF  }
0xaf: {  	[dreg:$0x1] =	wrdreg $0xFFFFFFFF  }
0xb0: {  	[dreg:$0x0] =	wrdreg $0x60  }
0xb1: {  	[dreg:$0x2] =	wrdreg s2  }
0xb2: {  	[dreg:$0x3] =	wrdreg s18  }
0xb3: {  	[dreg:$0x4] =	wrdreg s24  }
0xb4: {  	[dreg:$0x5] =	wrdreg s4  }
0xb5: {  	[dreg:$0x6] =	wrdreg s5  }
0xb6: {  	[dreg:$0x7] =	wrdreg $0x0  }
0xb7: {  	[dreg:$0x8] =	wrdreg $0x9  }
0xb8: {  	_ =	task.clear_ibuf [dreg:s10], $0x9FFFF;
	_ =	strace $0x90000046  }
0xb9: {  	s29 =	simm.s32 $0x9;
	_ =	strace $0x80000048  }
0xba: {  	_ =	swait.ge [sflag:s29], $0x1  }
0xbb: {  	[sflag:s29] =	ssyncadd.s32 $0xFFFFFFFF  }
0xbc: {  	_ =	strace $0x90000048  }
0xbd: {  	_ =	sfence  }
0xbe: {  	s30 =	sld [smem:$0x0];
	_ =	sdelay $0x2  }
0xbf: {  	s31 =	sshll.u32 s1, $0xD;
	s1 =	sshrl.u32 s1, $0x2  }
0xc0: {  	s3 =	sand.u32 $0x4000, s31;
	s1 =	sadd.s32 s1, s30  }
0xc1: {  	s0 =	sor.u32 s3, s0;
	s1 =	sshll.u32 s1, $0x11  }
0xc2: {  	s0 =	sor.u32 s1, s0  }
0xc3: {  	s0 =	sadd.s32 $0x8F2B, s0  }
0xc4: {  	[sflag:s0] =	ssyncadd.remote.s32 $0x1  }
0xc5: {  	_ =	sfence.sel $0xFFFF  }
0xc6: {  	[dreg:$0x0] =	wrdreg $0xFFFFFFFF;
	(pc) =	sbr.abs _section_cstart, $3  }
0xc7: {  	[dreg:$0x1] =	wrdreg $0xFFFFFFFF  }
0xc8: {  	_ =	task.clear_ibuf [dreg:s10], $0x2FFFF;
	_ =	strace $0x9FFFFFFF  }
0xc9: {  	(tm) =	ssettm $0x7FFFFFFF  }
tec
execute0_lowered:
.L_overlay_start_1:
0x0: {  	(tag) =	ssettag $0x1  }
0x1: {  	s0 =	rddreg [dreg:$0x0]  }
0x2: {  	s2 =	rddreg [dreg:$0x1]  }
0x3: {  	s1 =	rddreg [dreg:$0x2]  }
0x4: {  	s3 =	rddreg [dreg:$0x3]  }
0x5: {  	s24 =	rddreg [dreg:$0x4]  }
0x6: {  	s5 =	rddreg [dreg:$0x5]  }
0x7: {  	s4 =	srdreg.scid;
	s7 =	stileid.u32  }
0x8: {  	s6 =	simm.s32 $0x0;
	s31 =	simm.s32 $0xAA08;
	s4 =	sand.u32 $0x1, s4  }
0x9: {  	s8 =	sshll.u32 s7, $0x1;
	[smem:$0x7FF] =	sst s6;
	p0 =	sne.s32 s7, $0x0  }
0xa: {  	s29 =	sadd.s32 $0x28000, s24;
	s13 =	sor.u32 s4, s8;
	_ =	strace $0x80000047  }
0xb: {  	s8 =	sadd.s32 $0x400, s1;
	s4 =	ssub.s32 $0x2, s4;
	s9 =	smul.u32 $0xA00, s13  }
0xc: {  	s1 =	sadd.s32 $0x3600, s1;
	s10 =	smul.u32 $0x14, s13;
	s22 =	sshrl.u32 s4, $0x1  }
0xd: {  	[dreg:$0x7] =	wrdreg s1;
	s1 =	ssub.s32 s4, s22;
	s22 =	sor.u32 $0xFFFFFFE0, s13  }
0xe: {  	s11 =	sor.u32 $0x20, s13;
	s9 =	sadd.s32 s0, s9;
	[dreg:$0x14] =	wrdreg s22  }
0xf: {  	s25 =	sor.u32 $0x40, s13;
	s26 =	sadd.s32 s2, s10;
	[dreg:$0x8] =	wrdreg s9  }
0x10: {  	p1 =	sgt.u32 s13, $0x10;
	s14 =	sadd.s32 s8, s10;
	[dreg:$0x9] =	wrdreg s26  }
0x11: {  	s12 =	smul.u32 $0xA00, s11;
	s10 =	sadd.s32 s3, s10;
	[dreg:$0xa] =	wrdreg s14  }
0x12: {  	s23 =	smul.u32 $0x14, s11;
	s1 =	smax.u32 s1, $0x1;
	[dreg:$0xb] =	wrdreg s10  }
0x13: {  	s28 =	smov.u32 s13;
	s15 =	sadd.s32 s0, s12;
	[dreg:$0x17] =	wrdreg s1  }
0x14: {  	s30 =	smul.u32 $0xA00, s25;
	s16 =	sadd.s32 s2, s23;
	[dreg:$0xc] =	wrdreg s15  }
0x15: {  	s11 =	simm.s32 $0x5;
	s17 =	sadd.s32 s8, s23;
	[dreg:$0xd] =	wrdreg s16  }
0x16: {  	s14 =	smul.u32 $0x14, s25;
	s4 =	sadd.s32 s3, s23;
	[dreg:$0xe] =	wrdreg s17  }
0x17: {  	s18 =	sadd.s32 s0, s30;
	s23 =	sor.u32 $0x80, s13;
	[dreg:$0xf] =	wrdreg s4  }
0x18: {  	s25 =	sor.u32 $0xA0, s13;
	s26 =	sor.u32 $0xC0, s13;
	[dreg:$0x10] =	wrdreg s18  }
0x19: {  	s30 =	sadd.s32 $0x14000, s24;
	s1 =	simm.s32 $0x5608;
	[dreg:$0x15] =	wrdreg s23  }
0x1a: {  	s9 =	simm.s32 $0x1;
	s10 =	simm.s32 $0x50;
	[dreg:$0x16] =	wrdreg s25  }
0x1b: {  	s12 =	simm.s32 $0x3;
	s13 =	simm.s32 $0xA;
	[dreg:$0x18] =	wrdreg s26  }
.Ltmp0:
0x1c: {  	[dreg:$0x19] =	wrdreg s30;
	s18 =	simm.s32 $0x2;
	(pc) =	sbr.rel .LBB2_1-.Ltmp0, $4  }
0x1d: {  	s15 =	simm.s32 $0x8;
	s16 =	simm.s32 $0x6;
	s19 =	sadd.s32 s2, s14  }
0x1e: {  	s17 =	simm.s32 $0x9;
	s20 =	sadd.s32 s8, s14;
	[dreg:$0x11] =	wrdreg s19  }
0x1f: {  	s21 =	sadd.s32 s3, s14;
	s14 =	simm.s32 $0x4;
	[dreg:$0x12] =	wrdreg s20  }
0x20: {  	[dreg:$0x13] =	wrdreg s21;
	s19 =	simm.s32 $0x7;
	s20 =	simm.s32 $0x0  }
.LBB2_17:
0x21: {  	s4 =	simm.s32 @!p1 $0xC  }
0x22: {  	_ =	swait.ge @!p1 [sflag:s4], $0x5000  }
0x23: {  	s20 =	rddreg [dreg:$0x1a]  }
0x24: {  	s7 =	rddreg [dreg:$0x17];
	s20 =	sadd.s32 $0x1, s20  }
0x25: {  	p2 =	sne.s32 s20, s7  }
.Ltmp1:
0x26: {  	_ = 	snop;
	(pc) =	sbr.rel @!p2 .LBB2_18-.Ltmp1, $3  }
0x27: {  	_ =	sdelay $0x1  }
0x28: {  	[sflag:s4] =	ssyncset.done @!p1 $0x0  }
0x29: {  	[sflag:s4] =	ssyncadd.s32 @!p1 $0xFFFFB000  }
.LBB2_1:
0x2a: {  	[dreg:$0x1a] =	wrdreg s20  }
0x2b: {  	s4 =	sshrl.u32 @!p0 s5, $0x3;
	s7 =	simm.s32 @!p0 $0x1C0D;
	s20 =	rddreg [dreg:$0x7]  }
0x2c: {  	[spmem:s4], [sflag:s7] =	dma.local @!p0 [hbm:s20], $0x410  }
0x2d: {  	s4 =	simm.s32 @!p0 $0xD  }
0x2e: {  	_ =	swait.ge @!p0 [sflag:s4], $0x410  }
0x2f: {  	[sflag:s4] =	ssyncset.done @!p0 $0x0  }
0x30: {  	[sflag:s4] =	ssyncadd.s32 @!p0 $0xFFFFFBF0  }
0x31: {  	[bflag:$0x0] =	sbarrier.arrive $0xFFFF  }
0x32: {  	s25 =	simm.s32 $0x208;
	s23 =	rddreg [dreg:$0x8]  }
0x33: {  	[tilespmem:s25], [sflag:$0x1] =	stream.linear.gather [hbm4b:s23+s6], $0x5000, $0x38;
	[tilespmem:$0x15208] =	vst v63  }
0x34: {  	s30 =	simm.s32 $0x5208;
	s26 =	rddreg [dreg:$0x9]  }
0x35: {  	[tilespmem:s30], [sflag:$0x1] =	stream.linear.gather [hbm4b:s26+s6], $0xA0, $0x38;
	[tilespmem:$0x15208] =	vst v63  }
0x36: {  	s21 =	simm.s32 $0x5308;
	s20 =	rddreg [dreg:$0xa]  }
0x37: {  	[tilespmem:s21], [sflag:$0x1] =	stream.linear.gather [hbm4b:s20+s6], $0xA0, $0x38;
	[tilespmem:$0x15208] =	vst v63  }
0x38: {  	s22 =	rddreg [dreg:$0xb];
	s23 =	simm.s32 $0x5408  }
0x39: {  	[tilespmem:s23], [sflag:$0x1] =	stream.linear.gather [hbm4b:s22+s6], $0xA0, $0x38;
	[tilespmem:$0x15208] =	vst v63  }
0x3a: {  	s25 =	rddreg [dreg:$0xc]  }
0x3b: {  	[tilespmem:s1], [sflag:$0x4] =	stream.linear.gather [hbm4b:s25+s6], $0x5000, $0x38;
	[tilespmem:$0x15208] =	vst v63  }
0x3c: {  	s26 =	rddreg [dreg:$0xd];
	s30 =	simm.s32 $0xA608  }
0x3d: {  	[tilespmem:s30], [sflag:$0x4] =	stream.linear.gather [hbm4b:s26+s6], $0xA0, $0x38;
	[tilespmem:$0x15208] =	vst v63  }
0x3e: {  	s20 =	rddreg [dreg:$0xe];
	s21 =	simm.s32 $0xA708  }
0x3f: {  	[tilespmem:s21], [sflag:$0x4] =	stream.linear.gather [hbm4b:s20+s6], $0xA0, $0x38;
	[tilespmem:$0x15208] =	vst v63  }
0x40: {  	s22 =	rddreg [dreg:$0xf];
	s23 =	simm.s32 $0xA808  }
0x41: {  	[tilespmem:s23], [sflag:$0x4] =	stream.linear.gather [hbm4b:s22+s6], $0xA0, $0x38;
	[tilespmem:$0x15208] =	vst v63  }
0x42: {  	s25 =	rddreg [dreg:$0x10]  }
0x43: {  	[tilespmem:s31], [sflag:$0x7] =	stream.linear.gather [hbm4b:s25+s6], $0x5000, $0x38;
	[tilespmem:$0x15208] =	vst v63  }
0x44: {  	s26 =	rddreg [dreg:$0x11];
	s30 =	simm.s32 $0xFA08  }
0x45: {  	[tilespmem:s30], [sflag:$0x7] =	stream.linear.gather [hbm4b:s26+s6], $0xA0, $0x38;
	[tilespmem:$0x15208] =	vst v63  }
0x46: {  	s20 =	rddreg [dreg:$0x12];
	s21 =	simm.s32 $0xFB08  }
0x47: {  	[tilespmem:s21], [sflag:$0x7] =	stream.linear.gather [hbm4b:s20+s6], $0xA0, $0x38;
	[tilespmem:$0x15208] =	vst v63  }
0x48: {  	s22 =	rddreg [dreg:$0x13];
	s23 =	simm.s32 $0xFC08  }
0x49: {  	[tilespmem:s23], [sflag:$0x7] =	stream.linear.gather [hbm4b:s22+s6], $0xA0, $0x38;
	[tilespmem:$0x15208] =	vst v63  }
0x4a: {  	_ =	swait.ge [sflag:s9], $0x5000  }
0x4b: {  	[sflag:s9] =	ssyncset.done $0x0  }
0x4c: {  	[sflag:s9] =	ssyncadd.s32 $0xFFFFB000  }
0x4d: {  	_ =	swait.ge [sflag:s9], $0xA0  }
0x4e: {  	[sflag:s9] =	ssyncset.done $0x0  }
0x4f: {  	[sflag:s9] =	ssyncadd.s32 $0xFFFFFF60  }
0x50: {  	_ =	swait.ge [sflag:s9], $0xA0  }
0x51: {  	[sflag:s9] =	ssyncset.done $0x0  }
0x52: {  	[sflag:s9] =	ssyncadd.s32 $0xFFFFFF60  }
0x53: {  	_ =	swait.ge [sflag:s9], $0xA0  }
0x54: {  	[sflag:s9] =	ssyncset.done $0x0  }
0x55: {  	s25 =	simm.s32 $0x5318;
	[sflag:s9] =	ssyncadd.s32 $0xFFFFFF60  }
0x56: {  	s26 =	simm.s32 $0x5418;
	v3 =	vld [tilespmem:s25+$0xFFFFFFF0]  }
0x57: {  	v2 =	vld [tilespmem:s26+$0x0]  }
0x58: {  	v4 =	vld [tilespmem:s25+$0x0]  }
0x59: {  	s30 =	simm.s32 $0x5218;
	v5 =	vld [tilespmem:s26+$0xFFFFFFF0]  }
0x5a: {  	v6 =	vld [tilespmem:s30+$0x0]  }
0x5b: {  	s20 =	simm.s32 $0x5338;
	v7 =	vld [tilespmem:s30+$0xFFFFFFF0]  }
0x5c: {  	s7 =	simm.s32 $0x5438;
	v0 =	vld [tilespmem:s20+$0xFFFFFFF0]  }
0x5d: {  	v1 =	vld [tilespmem:s7+$0x0];
	vm0 =	vne.s32 v4, $0x0;
	vm1 =	vge.f32 v2, $6.999999880e-01  }
0x5e: {  	v2 =	vld [tilespmem:s20+$0x0];
	vm2 =	vne.s32 v3, $0x0;
	vm3 =	vge.f32 v5, $6.999999880e-01;
	vm0 =	vmand vm0, vm1  }
0x5f: {  	s4 =	simm.s32 $0x5518;
	s21 =	simm.s32 $0x5238;
	v3 =	vld [tilespmem:s7+$0xFFFFFFF0];
	vm15 =	vmand vm2, vm3;
	v6 =	vnsel vm0, $0x40, v6  }
0x60: {  	s22 =	simm.s32 $0x2;
	v4 =	vld [tilespmem:s21+$0x0];
	v5 =	vnsel vm15, $0x40, v7;
	[tilespmem:s4+$0x0] =	vst v6  }
.LBB2_2:
0x61: {  	s22 =	sadd.s32 $0x2, s22  }
0x62: {  	v6 =	vld [tilespmem:s21+$0xFFFFFFF0];
	s20 =	sadd.s32 $0x20, s20;
	[tilespmem:s4+$0xFFFFFFF0] =	vst v5;
	s4 =	sadd.s32 $0x20, s4;
	v5 =	vmov v0;
	p2 =	slt.u32 s22, $0x8  }
.Ltmp2:
0x63: {  	s7 =	sadd.s32 $0x20, s7;
	v0 =	vld [tilespmem:s20+$0xFFFFFFF0];
	(pc) =	sbr.rel @p2 .LBB2_2-.Ltmp2, $4  }
0x64: {  	vm1 =	vge.f32 v1, $6.999999880e-01;
	vm0 =	vne.s32 v2, $0x0;
	v1 =	vld [tilespmem:s7+$0x0]  }
0x65: {  	vm2 =	vne.s32 v5, $0x0;
	v2 =	vld [tilespmem:s20+$0x0];
	vm3 =	vge.f32 v3, $6.999999880e-01;
	vm0 =	vmand vm0, vm1  }
0x66: {  	s21 =	sadd.s32 $0x20, s21;
	v3 =	vld [tilespmem:s7+$0xFFFFFFF0];
	vm1 =	vmand vm2, vm3;
	v7 =	vnsel vm0, $0x40, v4  }
0x67: {  	v4 =	vld [tilespmem:s21+$0x0];
	v5 =	vnsel vm1, $0x40, v6;
	[tilespmem:s4+$0x0] =	vst v7  }
0x68: {  	v6 =	vld [tilespmem:s21+$0xFFFFFFF0];
	_ =	sdelay $0x1  }
0x69: {  	vm1 =	vge.f32 v1, $6.999999880e-01;
	vm0 =	vne.s32 v2, $0x0  }
0x6a: {  	vm2 =	vne.s32 v0, $0x0;
	vm3 =	vge.f32 v3, $6.999999880e-01;
	vm0 =	vmand vm0, vm1  }
0x6b: {  	[tilespmem:s4+$0xFFFFFFF0] =	vst v5;
	s23 =	sadd.s32 $0x20, s4;
	vm15 =	vmand vm2, vm3;
	v62 =	vnsel vm0, $0x40, v4  }
.Ltmp3:
0x6c: {  	v63 =	vnsel vm15, $0x40, v6;
	[tilespmem:s23+$0x0] =	vst v62;
	(pc) =	sbr.rel .LBB2_4-.Ltmp3, $4  }
0x6d: {  	s25 =	simm.s32 $0x208;
	s7 =	simm.s32 $0x5508;
	[tilespmem:s23+$0xFFFFFFF0] =	vst v63  }
0x6e: {  	[tilespmem:s25], [sflag:$0x2] =	stream.indirect.gather.add.f32 [spmem:s5], $0x80, s7, s10, $0xb8;
	[tilespmem:$0x15208] =	vst v63  }
0x6f: {  	s26 =	simm.s32 $0x5558;
	s30 =	simm.s32 $0x2A08;
	s20 =	simm.s32 $0x0  }
0x70: {  	[tilespmem:s30], [sflag:$0x2] =	stream.indirect.gather.add.f32 [spmem:s5], $0x80, s26, s10, $0xb8;
	[tilespmem:$0x15208] =	vst v63  }
.LBB2_16:
0x71: {  	s4 =	simm.s32 @!p2 $0xB  }
0x72: {  	_ =	swait.ge @!p2 [sflag:s4], $0x2800  }
0x73: {  	[sflag:s4] =	ssyncset.done @!p2 $0x0  }
0x74: {  	[sflag:s4] =	ssyncadd.s32 @!p2 $0xFFFFD800  }
0x75: {  	_ =	swait.ge @!p2 [sflag:s4], $0x2800  }
0x76: {  	s7 =	simm.s32 @!p2 $0x0;
	s22 =	simm.s32 @!p2 $0xFE08;
	[sflag:s4] =	ssyncset.done @!p2 $0x0  }
0x77: {  	s30 =	rddreg [dreg:$0x18];
	[sflag:s4] =	ssyncadd.s32 @!p2 $0xFFFFD800;
	s4 =	sadd.s32 @!p2 s26, s25  }
0x78: {  	[hbm4b:s4+s7] =	stream.linear.scatter @!p2 [tilespmem:s22], [sflag:$0xC], $0x5000, $0x38;
	[tilespmem:$0x15208] =	vst v63  }
0x79: {  	s4 =	sadd.s32 s30, s21  }
0x7a: {  	p2 =	sgt.u32 s4, $0x270  }
0x7b: {  	_ =	swait.ge [sflag:s17], $0x5000;
	s7 =	smul.u32 @!p2 $0xA00, s4  }
0x7c: {  	[sflag:s17] =	ssyncset.done $0x0;
	s21 =	simm.s32 @!p2 $0x0;
	s22 =	simm.s32 @!p2 $0xAA08  }
0x7d: {  	s4 =	smul.u32 @!p2 $0x14, s4;
	[sflag:s17] =	ssyncadd.s32 $0xFFFFB000;
	s7 =	sadd.s32 @!p2 s0, s7  }
0x7e: {  	[tilespmem:s22], [sflag:$0x7] =	stream.linear.gather @!p2 [hbm4b:s7+s21], $0x5000, $0x38;
	[tilespmem:$0x15208] =	vst v63  }
0x7f: {  	s7 =	sadd.s32 @!p2 s2, s4;
	s22 =	simm.s32 @!p2 $0xFA08  }
0x80: {  	[tilespmem:s22], [sflag:$0x7] =	stream.linear.gather @!p2 [hbm4b:s7+s21], $0xA0, $0x38;
	[tilespmem:$0x15208] =	vst v63  }
0x81: {  	s7 =	sadd.s32 @!p2 s8, s4;
	s22 =	simm.s32 @!p2 $0xFB08  }
0x82: {  	[tilespmem:s22], [sflag:$0x7] =	stream.linear.gather @!p2 [hbm4b:s7+s21], $0xA0, $0x38;
	[tilespmem:$0x15208] =	vst v63  }
0x83: {  	s20 =	sadd.s32 $0x1, s20;
	s4 =	sadd.s32 @!p2 s3, s4;
	s7 =	simm.s32 @!p2 $0xFC08  }
0x84: {  	[tilespmem:s7], [sflag:$0x7] =	stream.linear.gather @!p2 [hbm4b:s4+s21], $0xA0, $0x38;
	[tilespmem:$0x15208] =	vst v63  }
0x85: {  	p2 =	sne.s32 s20, $0x5  }
.Ltmp4:
0x86: {  	_ = 	snop;
	(pc) =	sbr.rel @!p2 .LBB2_17-.Ltmp4, $2  }
0x87: {  	_ =	sdelay $0x2  }
0x88: {  	s24 =	smov.u32 s26  }
.LBB2_4:
0x89: {  	_ =	swait.ge [sflag:s14], $0x5000  }
0x8a: {  	[sflag:s14] =	ssyncset.done $0x0  }
0x8b: {  	[sflag:s14] =	ssyncadd.s32 $0xFFFFB000  }
0x8c: {  	_ =	swait.ge [sflag:s14], $0xA0  }
0x8d: {  	[sflag:s14] =	ssyncset.done $0x0  }
0x8e: {  	[sflag:s14] =	ssyncadd.s32 $0xFFFFFF60  }
0x8f: {  	_ =	swait.ge [sflag:s14], $0xA0  }
0x90: {  	[sflag:s14] =	ssyncset.done $0x0  }
0x91: {  	[sflag:s14] =	ssyncadd.s32 $0xFFFFFF60  }
0x92: {  	_ =	swait.ge [sflag:s14], $0xA0  }
0x93: {  	[sflag:s14] =	ssyncset.done $0x0  }
0x94: {  	s4 =	simm.s32 $0xA718;
	[sflag:s14] =	ssyncadd.s32 $0xFFFFFF60  }
0x95: {  	s7 =	simm.s32 $0xA818;
	v3 =	vld [tilespmem:s4+$0xFFFFFFF0]  }
0x96: {  	v2 =	vld [tilespmem:s7+$0x0]  }
0x97: {  	v4 =	vld [tilespmem:s4+$0x0]  }
0x98: {  	s26 =	simm.s32 $0xA618;
	v5 =	vld [tilespmem:s7+$0xFFFFFFF0]  }
0x99: {  	v6 =	vld [tilespmem:s26+$0x0]  }
0x9a: {  	s30 =	simm.s32 $0xA738;
	v7 =	vld [tilespmem:s26+$0xFFFFFFF0]  }
0x9b: {  	v0 =	vld [tilespmem:s30+$0xFFFFFFF0];
	s4 =	simm.s32 $0xA838  }
0x9c: {  	v1 =	vld [tilespmem:s4+$0x0];
	vm0 =	vne.s32 v4, $0x0;
	vm1 =	vge.f32 v2, $6.999999880e-01  }
0x9d: {  	v2 =	vld [tilespmem:s30+$0x0];
	vm2 =	vne.s32 v3, $0x0;
	vm3 =	vge.f32 v5, $6.999999880e-01;
	vm0 =	vmand vm0, vm1  }
0x9e: {  	s21 =	sshll.u32 s20, $0x7;
	s22 =	simm.s32 $0xA638;
	s7 =	simm.s32 $0xA918;
	v3 =	vld [tilespmem:s4+$0xFFFFFFF0];
	vm15 =	vmand vm2, vm3;
	v6 =	vnsel vm0, $0x40, v6  }
0x9f: {  	s23 =	simm.s32 $0x2;
	s25 =	sor.u32 s21, s28;
	v4 =	vld [tilespmem:s22+$0x0];
	v5 =	vnsel vm15, $0x40, v7;
	[tilespmem:s7+$0x0] =	vst v6  }
.LBB2_5:
0xa0: {  	s23 =	sadd.s32 $0x2, s23  }
0xa1: {  	v6 =	vld [tilespmem:s22+$0xFFFFFFF0];
	s30 =	sadd.s32 $0x20, s30;
	[tilespmem:s7+$0xFFFFFFF0] =	vst v5;
	s7 =	sadd.s32 $0x20, s7;
	v5 =	vmov v0;
	p2 =	slt.u32 s23, $0x8  }
.Ltmp5:
0xa2: {  	s4 =	sadd.s32 $0x20, s4;
	v0 =	vld [tilespmem:s30+$0xFFFFFFF0];
	(pc) =	sbr.rel @p2 .LBB2_5-.Ltmp5, $4  }
0xa3: {  	vm1 =	vge.f32 v1, $6.999999880e-01;
	vm0 =	vne.s32 v2, $0x0;
	v1 =	vld [tilespmem:s4+$0x0]  }
0xa4: {  	vm2 =	vne.s32 v5, $0x0;
	v2 =	vld [tilespmem:s30+$0x0];
	vm3 =	vge.f32 v3, $6.999999880e-01;
	vm0 =	vmand vm0, vm1  }
0xa5: {  	s22 =	sadd.s32 $0x20, s22;
	v3 =	vld [tilespmem:s4+$0xFFFFFFF0];
	vm1 =	vmand vm2, vm3;
	v7 =	vnsel vm0, $0x40, v4  }
0xa6: {  	v4 =	vld [tilespmem:s22+$0x0];
	v5 =	vnsel vm1, $0x40, v6;
	[tilespmem:s7+$0x0] =	vst v7  }
0xa7: {  	v6 =	vld [tilespmem:s22+$0xFFFFFFF0];
	_ =	sdelay $0x1  }
0xa8: {  	vm1 =	vge.f32 v1, $6.999999880e-01;
	vm0 =	vne.s32 v2, $0x0  }
0xa9: {  	vm2 =	vne.s32 v0, $0x0;
	vm3 =	vge.f32 v3, $6.999999880e-01;
	vm0 =	vmand vm0, vm1  }
0xaa: {  	[tilespmem:s7+$0xFFFFFFF0] =	vst v5;
	s4 =	sadd.s32 $0x20, s7;
	vm10 =	vmand vm2, vm3;
	v0 =	vnsel vm0, $0x40, v4  }
0xab: {  	v1 =	vnsel vm10, $0x40, v6;
	[tilespmem:s4+$0x0] =	vst v0  }
0xac: {  	s26 =	simm.s32 $0xA908;
	[tilespmem:s4+$0xFFFFFFF0] =	vst v1  }
0xad: {  	[tilespmem:s1], [sflag:$0x5] =	stream.indirect.gather.add.f32 [spmem:s5], $0x80, s26, s10, $0xb8;
	[tilespmem:$0x15208] =	vst v63  }
0xae: {  	s7 =	simm.s32 $0xA958;
	s22 =	simm.s32 $0x7E08  }
0xaf: {  	[tilespmem:s22], [sflag:$0x5] =	stream.indirect.gather.add.f32 [spmem:s5], $0x80, s7, s10, $0xb8;
	[tilespmem:$0x15208] =	vst v63  }
0xb0: {  	_ =	swait.ge [sflag:s18], $0x2800  }
0xb1: {  	s30 =	smul.u32 $0xA00, s25;
	[sflag:s18] =	ssyncset.done $0x0  }
0xb2: {  	[sflag:s18] =	ssyncadd.s32 $0xFFFFD800  }
0xb3: {  	s23 =	sadd.s32 s24, s30;
	_ =	swait.ge [sflag:s18], $0x2800  }
0xb4: {  	s26 =	smov.u32 s24;
	[sflag:s18] =	ssyncset.done $0x0;
	s7 =	rddreg [dreg:$0x14]  }
0xb5: {  	s24 =	simm.s32 $0x208;
	[sflag:s18] =	ssyncadd.s32 $0xFFFFD800;
	s4 =	sadd.s32 s7, s21  }
0xb6: {  	[hbm4b:s23+s6] =	stream.linear.scatter [tilespmem:s24], [sflag:$0x3], $0x5000, $0x38;
	[tilespmem:$0x15208] =	vst v63  }
0xb7: {  	p3 =	sgt.u32 s4, $0x270;
	s4 =	sor.u32 $0x60, s25  }
0xb8: {  	s7 =	simm.s32 @!p3 $0xC;
	p2 =	sgt.u32 s4, $0x270  }
0xb9: {  	_ =	swait.ge @!p3 [sflag:s7], $0x5000;
	s25 =	smul.u32 @!p2 $0xA00, s4  }
0xba: {  	s22 =	simm.s32 @!p2 $0x0;
	s23 =	simm.s32 @!p2 $0xFE08;
	[sflag:s7] =	ssyncset.done @!p3 $0x0  }
0xbb: {  	s4 =	smul.u32 @!p2 $0x14, s4;
	[sflag:s7] =	ssyncadd.s32 @!p3 $0xFFFFB000;
	s7 =	sadd.s32 @!p2 s0, s25  }
0xbc: {  	[tilespmem:s23], [sflag:$0xA] =	stream.linear.gather @!p2 [hbm4b:s7+s22], $0x5000, $0x38;
	[tilespmem:$0x15208] =	vst v63  }
0xbd: {  	s7 =	sadd.s32 @!p2 s2, s4;
	s23 =	simm.s32 @!p2 $0x14E08  }
0xbe: {  	[tilespmem:s23], [sflag:$0xA] =	stream.linear.gather @!p2 [hbm4b:s7+s22], $0xA0, $0x38;
	[tilespmem:$0x15208] =	vst v63  }
0xbf: {  	s7 =	sadd.s32 @!p2 s8, s4;
	s23 =	simm.s32 @!p2 $0x14F08  }
0xc0: {  	[tilespmem:s23], [sflag:$0xA] =	stream.linear.gather @!p2 [hbm4b:s7+s22], $0xA0, $0x38;
	[tilespmem:$0x15208] =	vst v63  }
0xc1: {  	s4 =	sadd.s32 @!p2 s3, s4;
	s7 =	simm.s32 @!p2 $0x15008  }
0xc2: {  	[tilespmem:s7], [sflag:$0xA] =	stream.linear.gather @!p2 [hbm4b:s4+s22], $0xA0, $0x38;
	[tilespmem:$0x15208] =	vst v63  }
0xc3: {  	_ =	swait.ge [sflag:s19], $0x5000  }
0xc4: {  	[sflag:s19] =	ssyncset.done $0x0  }
0xc5: {  	[sflag:s19] =	ssyncadd.s32 $0xFFFFB000  }
0xc6: {  	_ =	swait.ge [sflag:s19], $0xA0  }
0xc7: {  	[sflag:s19] =	ssyncset.done $0x0  }
0xc8: {  	[sflag:s19] =	ssyncadd.s32 $0xFFFFFF60  }
0xc9: {  	_ =	swait.ge [sflag:s19], $0xA0  }
0xca: {  	[sflag:s19] =	ssyncset.done $0x0  }
0xcb: {  	[sflag:s19] =	ssyncadd.s32 $0xFFFFFF60  }
0xcc: {  	_ =	swait.ge [sflag:s19], $0xA0  }
0xcd: {  	[sflag:s19] =	ssyncset.done $0x0  }
0xce: {  	s22 =	simm.s32 $0xFB18;
	[sflag:s19] =	ssyncadd.s32 $0xFFFFFF60  }
0xcf: {  	s23 =	simm.s32 $0xFC18;
	v3 =	vld [tilespmem:s22+$0xFFFFFFF0]  }
0xd0: {  	v2 =	vld [tilespmem:s23+$0x0]  }
0xd1: {  	v4 =	vld [tilespmem:s22+$0x0]  }
0xd2: {  	s24 =	simm.s32 $0xFA18;
	v5 =	vld [tilespmem:s23+$0xFFFFFFF0]  }
0xd3: {  	v6 =	vld [tilespmem:s24+$0x0]  }
0xd4: {  	s4 =	simm.s32 $0xFB38;
	v7 =	vld [tilespmem:s24+$0xFFFFFFF0]  }
0xd5: {  	v0 =	vld [tilespmem:s4+$0xFFFFFFF0];
	s22 =	simm.s32 $0xFC38  }
0xd6: {  	v1 =	vld [tilespmem:s22+$0x0];
	vm11 =	vne.s32 v4, $0x0;
	vm12 =	vge.f32 v2, $6.999999880e-01  }
0xd7: {  	v2 =	vld [tilespmem:s4+$0x0];
	vm13 =	vne.s32 v3, $0x0;
	vm14 =	vge.f32 v5, $6.999999880e-01;
	vm0 =	vmand vm11, vm12  }
0xd8: {  	s7 =	simm.s32 $0xFD18;
	s23 =	simm.s32 $0xFA38;
	v3 =	vld [tilespmem:s22+$0xFFFFFFF0];
	vm15 =	vmand vm13, vm14;
	v6 =	vnsel vm0, $0x40, v6  }
0xd9: {  	s24 =	simm.s32 $0x2;
	v4 =	vld [tilespmem:s23+$0x0];
	v5 =	vnsel vm15, $0x40, v7;
	[tilespmem:s7+$0x0] =	vst v6  }
.LBB2_7:
0xda: {  	s24 =	sadd.s32 $0x2, s24  }
0xdb: {  	v6 =	vld [tilespmem:s23+$0xFFFFFFF0];
	s4 =	sadd.s32 $0x20, s4;
	[tilespmem:s7+$0xFFFFFFF0] =	vst v5;
	s7 =	sadd.s32 $0x20, s7;
	v5 =	vmov v0;
	p3 =	slt.u32 s24, $0x8  }
.Ltmp6:
0xdc: {  	s22 =	sadd.s32 $0x20, s22;
	v0 =	vld [tilespmem:s4+$0xFFFFFFF0];
	(pc) =	sbr.rel @p3 .LBB2_7-.Ltmp6, $4  }
0xdd: {  	vm1 =	vge.f32 v1, $6.999999880e-01;
	vm0 =	vne.s32 v2, $0x0;
	v1 =	vld [tilespmem:s22+$0x0]  }
0xde: {  	vm2 =	vne.s32 v5, $0x0;
	v2 =	vld [tilespmem:s4+$0x0];
	vm3 =	vge.f32 v3, $6.999999880e-01;
	vm0 =	vmand vm0, vm1  }
0xdf: {  	s23 =	sadd.s32 $0x20, s23;
	v3 =	vld [tilespmem:s22+$0xFFFFFFF0];
	vm1 =	vmand vm2, vm3;
	v7 =	vnsel vm0, $0x40, v4  }
0xe0: {  	v4 =	vld [tilespmem:s23+$0x0];
	v5 =	vnsel vm1, $0x40, v6;
	[tilespmem:s7+$0x0] =	vst v7  }
0xe1: {  	v6 =	vld [tilespmem:s23+$0xFFFFFFF0];
	_ =	sdelay $0x1  }
0xe2: {  	vm1 =	vge.f32 v1, $6.999999880e-01;
	vm0 =	vne.s32 v2, $0x0  }
0xe3: {  	vm2 =	vne.s32 v0, $0x0;
	vm3 =	vge.f32 v3, $6.999999880e-01;
	vm0 =	vmand vm0, vm1  }
0xe4: {  	[tilespmem:s7+$0xFFFFFFF0] =	vst v5;
	s4 =	sadd.s32 $0x20, s7;
	vm15 =	vmand vm2, vm3;
	v62 =	vnsel vm0, $0x40, v4  }
0xe5: {  	v63 =	vnsel vm15, $0x40, v6;
	[tilespmem:s4+$0x0] =	vst v62  }
0xe6: {  	s24 =	simm.s32 $0xFD08;
	[tilespmem:s4+$0xFFFFFFF0] =	vst v63  }
0xe7: {  	[tilespmem:s31], [sflag:$0x8] =	stream.indirect.gather.add.f32 [spmem:s5], $0x80, s24, s10, $0xb8;
	[tilespmem:$0x15208] =	vst v63  }
0xe8: {  	s7 =	simm.s32 $0xFD58;
	s22 =	simm.s32 $0xD208  }
0xe9: {  	[tilespmem:s22], [sflag:$0x8] =	stream.indirect.gather.add.f32 [spmem:s5], $0x80, s7, s10, $0xb8;
	[tilespmem:$0x15208] =	vst v63  }
0xea: {  	_ =	swait.ge [sflag:s11], $0x2800  }
0xeb: {  	[sflag:s11] =	ssyncset.done $0x0  }
0xec: {  	[sflag:s11] =	ssyncadd.s32 $0xFFFFD800  }
0xed: {  	_ =	swait.ge [sflag:s11], $0x2800  }
0xee: {  	[sflag:s11] =	ssyncset.done $0x0;
	s23 =	rddreg [dreg:$0x19]  }
0xef: {  	s24 =	rddreg [dreg:$0x15];
	[sflag:s11] =	ssyncadd.s32 $0xFFFFD800;
	s4 =	sadd.s32 s23, s30  }
0xf0: {  	[hbm4b:s4+s6] =	stream.linear.scatter [tilespmem:s1], [sflag:$0x6], $0x5000, $0x38;
	[tilespmem:$0x15208] =	vst v63  }
0xf1: {  	s4 =	sadd.s32 s24, s21  }
0xf2: {  	p3 =	sgt.u32 s4, $0x270  }
0xf3: {  	_ =	swait.ge [sflag:s12], $0x5000;
	s7 =	smul.u32 @!p3 $0xA00, s4  }
0xf4: {  	[sflag:s12] =	ssyncset.done $0x0;
	s22 =	simm.s32 @!p3 $0x0;
	s23 =	simm.s32 @!p3 $0x208  }
0xf5: {  	s4 =	smul.u32 @!p3 $0x14, s4;
	[sflag:s12] =	ssyncadd.s32 $0xFFFFB000;
	s7 =	sadd.s32 @!p3 s0, s7  }
0xf6: {  	[tilespmem:s23], [sflag:$0x1] =	stream.linear.gather @!p3 [hbm4b:s7+s22], $0x5000, $0x38;
	[tilespmem:$0x15208] =	vst v63  }
0xf7: {  	s7 =	sadd.s32 @!p3 s2, s4;
	s23 =	simm.s32 @!p3 $0x5208  }
0xf8: {  	[tilespmem:s23], [sflag:$0x1] =	stream.linear.gather @!p3 [hbm4b:s7+s22], $0xA0, $0x38;
	[tilespmem:$0x15208] =	vst v63  }
.Ltmp7:
0xf9: {  	_ = 	snop;
	(pc) =	sbr.rel @p2 .LBB2_12-.Ltmp7, $4  }
0xfa: {  	s7 =	sadd.s32 @!p3 s8, s4;
	s23 =	simm.s32 @!p3 $0x5308  }
0xfb: {  	[tilespmem:s23], [sflag:$0x1] =	stream.linear.gather @!p3 [hbm4b:s7+s22], $0xA0, $0x38;
	[tilespmem:$0x15208] =	vst v63  }
0xfc: {  	s4 =	sadd.s32 @!p3 s3, s4;
	s7 =	simm.s32 @!p3 $0x5408  }
0xfd: {  	[tilespmem:s7], [sflag:$0x1] =	stream.linear.gather @!p3 [hbm4b:s4+s22], $0xA0, $0x38;
	[tilespmem:$0x15208] =	vst v63  }
0xfe: {  	_ =	swait.ge [sflag:s13], $0x5000  }
0xff: {  	[sflag:s13] =	ssyncset.done $0x0  }
0x100: {  	[sflag:s13] =	ssyncadd.s32 $0xFFFFB000  }
0x101: {  	_ =	swait.ge [sflag:s13], $0xA0  }
0x102: {  	[sflag:s13] =	ssyncset.done $0x0  }
0x103: {  	[sflag:s13] =	ssyncadd.s32 $0xFFFFFF60  }
0x104: {  	_ =	swait.ge [sflag:s13], $0xA0  }
0x105: {  	[sflag:s13] =	ssyncset.done $0x0  }
0x106: {  	[sflag:s13] =	ssyncadd.s32 $0xFFFFFF60  }
0x107: {  	_ =	swait.ge [sflag:s13], $0xA0  }
0x108: {  	[sflag:s13] =	ssyncset.done $0x0  }
0x109: {  	s4 =	simm.s32 $0x14F18;
	[sflag:s13] =	ssyncadd.s32 $0xFFFFFF60  }
0x10a: {  	s7 =	simm.s32 $0x15018;
	v3 =	vld [tilespmem:s4+$0xFFFFFFF0]  }
0x10b: {  	v2 =	vld [tilespmem:s7+$0x0]  }
0x10c: {  	v4 =	vld [tilespmem:s4+$0x0]  }
0x10d: {  	s24 =	simm.s32 $0x14E18;
	v5 =	vld [tilespmem:s7+$0xFFFFFFF0]  }
0x10e: {  	v6 =	vld [tilespmem:s24+$0x0]  }
0x10f: {  	s22 =	simm.s32 $0x15038;
	v7 =	vld [tilespmem:s24+$0xFFFFFFF0]  }
0x110: {  	s4 =	simm.s32 $0x14F38;
	v1 =	vld [tilespmem:s22+$0x0]  }
0x111: {  	v0 =	vld [tilespmem:s4+$0xFFFFFFF0];
	vm0 =	vne.s32 v4, $0x0;
	vm1 =	vge.f32 v2, $6.999999880e-01  }
0x112: {  	v2 =	vld [tilespmem:s4+$0x0];
	vm2 =	vne.s32 v3, $0x0;
	vm3 =	vge.f32 v5, $6.999999880e-01;
	vm0 =	vmand vm0, vm1  }
0x113: {  	s23 =	simm.s32 $0x14E38;
	s7 =	simm.s32 $0x15118;
	v3 =	vld [tilespmem:s22+$0xFFFFFFF0];
	vm15 =	vmand vm2, vm3;
	v6 =	vnsel vm0, $0x40, v6  }
0x114: {  	s24 =	simm.s32 $0x2;
	v4 =	vld [tilespmem:s23+$0x0];
	v5 =	vnsel vm15, $0x40, v7;
	[tilespmem:s7+$0x0] =	vst v6  }
.LBB2_10:
0x115: {  	s24 =	sadd.s32 $0x2, s24  }
0x116: {  	v6 =	vld [tilespmem:s23+$0xFFFFFFF0];
	s4 =	sadd.s32 $0x20, s4;
	[tilespmem:s7+$0xFFFFFFF0] =	vst v5;
	s7 =	sadd.s32 $0x20, s7;
	v5 =	vmov v0;
	p4 =	slt.u32 s24, $0x8  }
.Ltmp8:
0x117: {  	s22 =	sadd.s32 $0x20, s22;
	v0 =	vld [tilespmem:s4+$0xFFFFFFF0];
	(pc) =	sbr.rel @p4 .LBB2_10-.Ltmp8, $4  }
0x118: {  	vm1 =	vge.f32 v1, $6.999999880e-01;
	vm0 =	vne.s32 v2, $0x0;
	v1 =	vld [tilespmem:s22+$0x0]  }
0x119: {  	vm2 =	vne.s32 v5, $0x0;
	v2 =	vld [tilespmem:s4+$0x0];
	vm3 =	vge.f32 v3, $6.999999880e-01;
	vm0 =	vmand vm0, vm1  }
0x11a: {  	s23 =	sadd.s32 $0x20, s23;
	v3 =	vld [tilespmem:s22+$0xFFFFFFF0];
	vm1 =	vmand vm2, vm3;
	v7 =	vnsel vm0, $0x40, v4  }
0x11b: {  	v4 =	vld [tilespmem:s23+$0x0];
	v5 =	vnsel vm1, $0x40, v6;
	[tilespmem:s7+$0x0] =	vst v7  }
0x11c: {  	v6 =	vld [tilespmem:s23+$0xFFFFFFF0];
	_ =	sdelay $0x1  }
0x11d: {  	vm1 =	vge.f32 v1, $6.999999880e-01;
	vm0 =	vne.s32 v2, $0x0  }
0x11e: {  	vm2 =	vne.s32 v0, $0x0;
	vm3 =	vge.f32 v3, $6.999999880e-01;
	vm0 =	vmand vm0, vm1  }
0x11f: {  	[tilespmem:s7+$0xFFFFFFF0] =	vst v5;
	s4 =	sadd.s32 $0x20, s7;
	vm15 =	vmand vm2, vm3;
	v62 =	vnsel vm0, $0x40, v4  }
0x120: {  	v63 =	vnsel vm15, $0x40, v6;
	[tilespmem:s4+$0x0] =	vst v62  }
0x121: {  	s7 =	simm.s32 $0x15108;
	s22 =	simm.s32 $0xFE08;
	[tilespmem:s4+$0xFFFFFFF0] =	vst v63  }
0x122: {  	[tilespmem:s22], [sflag:$0xB] =	stream.indirect.gather.add.f32 [spmem:s5], $0x80, s7, s10, $0xb8;
	[tilespmem:$0x15208] =	vst v63  }
0x123: {  	s23 =	simm.s32 $0x15158;
	s24 =	simm.s32 $0x12608  }
0x124: {  	[tilespmem:s24], [sflag:$0xB] =	stream.indirect.gather.add.f32 [spmem:s5], $0x80, s23, s10, $0xb8;
	[tilespmem:$0x15208] =	vst v63  }
.LBB2_12:
0x125: {  	_ =	swait.ge [sflag:s15], $0x2800  }
0x126: {  	[sflag:s15] =	ssyncset.done $0x0  }
0x127: {  	[sflag:s15] =	ssyncadd.s32 $0xFFFFD800  }
0x128: {  	_ =	swait.ge [sflag:s15], $0x2800  }
0x129: {  	[sflag:s15] =	ssyncset.done $0x0  }
0x12a: {  	s4 =	sadd.s32 s29, s30;
	s30 =	rddreg [dreg:$0x16];
	[sflag:s15] =	ssyncadd.s32 $0xFFFFD800  }
0x12b: {  	[hbm4b:s4+s6] =	stream.linear.scatter [tilespmem:s31], [sflag:$0x9], $0x5000, $0x38;
	[tilespmem:$0x15208] =	vst v63  }
0x12c: {  	s4 =	sadd.s32 s30, s21  }
0x12d: {  	p4 =	sgt.u32 s4, $0x270  }
0x12e: {  	_ =	swait.ge [sflag:s16], $0x5000;
	s7 =	smul.u32 @!p4 $0xA00, s4  }
0x12f: {  	[sflag:s16] =	ssyncset.done $0x0;
	s22 =	simm.s32 @!p4 $0x0;
	s23 =	simm.s32 @!p4 $0x5608  }
0x130: {  	s4 =	smul.u32 @!p4 $0x14, s4;
	[sflag:s16] =	ssyncadd.s32 $0xFFFFB000;
	s7 =	sadd.s32 @!p4 s0, s7  }
0x131: {  	[tilespmem:s23], [sflag:$0x4] =	stream.linear.gather @!p4 [hbm4b:s7+s22], $0x5000, $0x38;
	[tilespmem:$0x15208] =	vst v63  }
0x132: {  	s7 =	sadd.s32 @!p4 s2, s4;
	s23 =	simm.s32 @!p4 $0xA608  }
0x133: {  	[tilespmem:s23], [sflag:$0x4] =	stream.linear.gather @!p4 [hbm4b:s7+s22], $0xA0, $0x38;
	[tilespmem:$0x15208] =	vst v63  }
.Ltmp9:
0x134: {  	_ = 	snop;
	(pc) =	sbr.rel @p3 .LBB2_16-.Ltmp9, $4  }
0x135: {  	s7 =	sadd.s32 @!p4 s8, s4;
	s23 =	simm.s32 @!p4 $0xA708  }
0x136: {  	[tilespmem:s23], [sflag:$0x4] =	stream.linear.gather @!p4 [hbm4b:s7+s22], $0xA0, $0x38;
	[tilespmem:$0x15208] =	vst v63  }
0x137: {  	s4 =	sadd.s32 @!p4 s3, s4;
	s7 =	simm.s32 @!p4 $0xA808  }
0x138: {  	[tilespmem:s7], [sflag:$0x4] =	stream.linear.gather @!p4 [hbm4b:s4+s22], $0xA0, $0x38;
	[tilespmem:$0x15208] =	vst v63  }
0x139: {  	_ =	swait.ge [sflag:s9], $0x5000  }
0x13a: {  	[sflag:s9] =	ssyncset.done $0x0  }
0x13b: {  	[sflag:s9] =	ssyncadd.s32 $0xFFFFB000  }
0x13c: {  	_ =	swait.ge [sflag:s9], $0xA0  }
0x13d: {  	[sflag:s9] =	ssyncset.done $0x0  }
0x13e: {  	[sflag:s9] =	ssyncadd.s32 $0xFFFFFF60  }
0x13f: {  	_ =	swait.ge [sflag:s9], $0xA0  }
0x140: {  	[sflag:s9] =	ssyncset.done $0x0  }
0x141: {  	[sflag:s9] =	ssyncadd.s32 $0xFFFFFF60  }
0x142: {  	_ =	swait.ge [sflag:s9], $0xA0  }
0x143: {  	[sflag:s9] =	ssyncset.done $0x0  }
0x144: {  	s4 =	simm.s32 $0x5318;
	[sflag:s9] =	ssyncadd.s32 $0xFFFFFF60  }
0x145: {  	s7 =	simm.s32 $0x5418;
	v3 =	vld [tilespmem:s4+$0xFFFFFFF0]  }
0x146: {  	v2 =	vld [tilespmem:s7+$0x0]  }
0x147: {  	v4 =	vld [tilespmem:s4+$0x0]  }
0x148: {  	s30 =	simm.s32 $0x5218;
	v5 =	vld [tilespmem:s7+$0xFFFFFFF0]  }
0x149: {  	v6 =	vld [tilespmem:s30+$0x0]  }
0x14a: {  	s22 =	simm.s32 $0x5438;
	v7 =	vld [tilespmem:s30+$0xFFFFFFF0]  }
0x14b: {  	s4 =	simm.s32 $0x5338;
	v1 =	vld [tilespmem:s22+$0x0]  }
0x14c: {  	v0 =	vld [tilespmem:s4+$0xFFFFFFF0];
	vm0 =	vne.s32 v4, $0x0;
	vm1 =	vge.f32 v2, $6.999999880e-01  }
0x14d: {  	v2 =	vld [tilespmem:s4+$0x0];
	vm2 =	vne.s32 v3, $0x0;
	vm3 =	vge.f32 v5, $6.999999880e-01;
	vm0 =	vmand vm0, vm1  }
0x14e: {  	s23 =	simm.s32 $0x5238;
	s7 =	simm.s32 $0x5518;
	v3 =	vld [tilespmem:s22+$0xFFFFFFF0];
	vm15 =	vmand vm2, vm3;
	v6 =	vnsel vm0, $0x40, v6  }
0x14f: {  	s24 =	simm.s32 $0x2;
	v4 =	vld [tilespmem:s23+$0x0];
	v5 =	vnsel vm15, $0x40, v7;
	[tilespmem:s7+$0x0] =	vst v6  }
.LBB2_14:
0x150: {  	s24 =	sadd.s32 $0x2, s24  }
0x151: {  	v6 =	vld [tilespmem:s23+$0xFFFFFFF0];
	s4 =	sadd.s32 $0x20, s4;
	[tilespmem:s7+$0xFFFFFFF0] =	vst v5;
	s7 =	sadd.s32 $0x20, s7;
	v5 =	vmov v0;
	p3 =	slt.u32 s24, $0x8  }
.Ltmp10:
0x152: {  	s22 =	sadd.s32 $0x20, s22;
	v0 =	vld [tilespmem:s4+$0xFFFFFFF0];
	(pc) =	sbr.rel @p3 .LBB2_14-.Ltmp10, $4  }
0x153: {  	vm1 =	vge.f32 v1, $6.999999880e-01;
	vm0 =	vne.s32 v2, $0x0;
	v1 =	vld [tilespmem:s22+$0x0]  }
0x154: {  	vm2 =	vne.s32 v5, $0x0;
	v2 =	vld [tilespmem:s4+$0x0];
	vm3 =	vge.f32 v3, $6.999999880e-01;
	vm0 =	vmand vm0, vm1  }
0x155: {  	s23 =	sadd.s32 $0x20, s23;
	v3 =	vld [tilespmem:s22+$0xFFFFFFF0];
	vm1 =	vmand vm2, vm3;
	v7 =	vnsel vm0, $0x40, v4  }
0x156: {  	v4 =	vld [tilespmem:s23+$0x0];
	v5 =	vnsel vm1, $0x40, v6;
	[tilespmem:s7+$0x0] =	vst v7  }
0x157: {  	v6 =	vld [tilespmem:s23+$0xFFFFFFF0];
	_ =	sdelay $0x1  }
0x158: {  	vm1 =	vge.f32 v1, $6.999999880e-01;
	vm0 =	vne.s32 v2, $0x0  }
0x159: {  	vm2 =	vne.s32 v0, $0x0;
	vm3 =	vge.f32 v3, $6.999999880e-01;
	vm0 =	vmand vm0, vm1  }
0x15a: {  	[tilespmem:s7+$0xFFFFFFF0] =	vst v5;
	s4 =	sadd.s32 $0x20, s7;
	vm15 =	vmand vm2, vm3;
	v62 =	vnsel vm0, $0x40, v4  }
.Ltmp11:
0x15b: {  	v63 =	vnsel vm15, $0x40, v6;
	[tilespmem:s4+$0x0] =	vst v62;
	(pc) =	sbr.rel .LBB2_16-.Ltmp11, $4  }
0x15c: {  	s22 =	simm.s32 $0x208;
	s23 =	simm.s32 $0x5508;
	[tilespmem:s4+$0xFFFFFFF0] =	vst v63  }
0x15d: {  	[tilespmem:s22], [sflag:$0x2] =	stream.indirect.gather.add.f32 [spmem:s5], $0x80, s23, s10, $0xb8;
	[tilespmem:$0x15208] =	vst v63  }
0x15e: {  	s24 =	simm.s32 $0x5558;
	s30 =	simm.s32 $0x2A08  }
0x15f: {  	[tilespmem:s30], [sflag:$0x2] =	stream.indirect.gather.add.f32 [spmem:s5], $0x80, s24, s10, $0xb8;
	[tilespmem:$0x15208] =	vst v63  }
.LBB2_18:
0x160: {  	_ =	sfence.sel $0x180000  }
0x161: {  	[bflag:$0x0] =	sbarrier.arrive $0xFFFF  }
0x162: {  	_ =	strace $0x90000047  }
0x163: {  	[bflag:$0x2] =	sbarrier.arrive $0xFFFF  }
0x164: {  	s0 =	rddreg [dreg:$0x6]  }
0x165: {  	s0 =	sadd.s32 @!p0 $0x100000, s0  }
0x166: {  	[sflag:s0] =	ssyncadd.tile.s32 @!p0 $0x1;
	_ =	shalt  }
.Lfunc_end2:
_tile_overlayer_lowered:
.L_overlay_start_2:
0x167: {  	(tag) =	ssettag $0x2  }
0x168: {  	s0 =	rddreg [dreg:$0x0];
	s2 =	stileid.u32  }
0x169: {  	s1 =	rddreg [dreg:$0x1];
	p0 =	sne.s32 s2, $0x0  }
0x16a: {  	s3 =	rddreg [dreg:$0x2];
	[bflag:$0x3] =	sbarrier.arrive $0xFFFF;
	s2 =	simm.s32 @!p0 $0x1C0D  }
0x16b: {  	[timem:s3], [sflag:s2] =	dma.local @!p0 [hbm:s0], s1  }
0x16c: {  	s0 =	simm.s32 @!p0 $0xD  }
0x16d: {  	_ =	swait.ge @!p0 [sflag:s0], s1  }
0x16e: {  	s1 =	ssub.s32 @!p0 $0x0, s1;
	[sflag:s0] =	ssyncset.done @!p0 $0x0  }
0x16f: {  	[sflag:s0] =	ssyncadd.s32 @!p0 s1  }
0x170: {  	[bflag:$0x3] =	sbarrier.arrive $0xFFFF  }
0x171: {  	_ =	shalt  }

</sc_bundles>
